<compile_context>
chip_gen: v7x
topology: tpu7x:2x2x1
jax: 0.10.2.dev20260603
libtpu: 0.0.44.dev20260713+nightly
codegen_flags: <defaults>
</compile_context>

<pallas_src>
import functools

import jax
import jax.numpy as jnp
from jax import lax
from jax.experimental import pallas as pl
from jax.experimental.pallas import tpu as pltpu
from jax.experimental.pallas import tpu_sc as plsc

NN = 10000
EE = 160000
DD = 128
NREL = 3
NC = 2
NS = 16
CHUNK = 128
CH = 80
EPAD = NS * CH * CHUNK
HALF = NN // NC
ACC_H = 5001
OUT_H = 5000
CNTW = 16
ZCH = 40
KPT = 3


def _seg_body(table, src_h, dst_h, ones_h, zeros_h, zeros16_h,
              g_out, cnt_out, src_v, dst_v, rows0_v, rows1_v, ones_v, zero_v,
              zero16_v, acc, cnt, sem0, sem1, sems0, sems1, semc):
    c = lax.axis_index("c")
    s = lax.axis_index("s")

    pltpu.sync_copy(zeros_h, zero_v)
    pltpu.sync_copy(ones_h, ones_v)
    pltpu.sync_copy(zeros16_h, zero16_v)

    def row_base(k):
        return jnp.minimum((s + NS * k) * CHUNK, OUT_H - CHUNK)

    def per_etype(e, carry):
        def zero_step(k, cc):
            base = row_base(k)
            pltpu.sync_copy(zero_v, acc.at[pl.ds(base, CHUNK)])
            pltpu.sync_copy(zero16_v, cnt.at[pl.ds(base, CHUNK)])
            return cc

        lax.fori_loop(0, KPT, zero_step, 0)
        plsc.subcore_barrier()

        pltpu.sync_copy(
            src_h.at[pl.ds((e * NS + s) * CH * CHUNK, CH * CHUNK)], src_v)
        pltpu.sync_copy(dst_h.at[pl.ds(((c * NREL + e) * NS + s) * CH, CH)],
                        dst_v)

        pltpu.async_copy(
            table.at[src_v.at[pl.ds(0, CHUNK)]], rows0_v, sem0)
        pltpu.async_copy(
            table.at[src_v.at[pl.ds(CHUNK, CHUNK)]], rows1_v, sem1)

        def pair_step(p, cc):
            j0 = 2 * p
            j1 = 2 * p + 1
            pltpu.make_async_copy(
                table.at[src_v.at[pl.ds(j0 * CHUNK, CHUNK)]], rows0_v,
                sem0).wait()
            pltpu.async_copy(rows0_v, acc.at[dst_v.at[j0]], sems0, add=True)
            pltpu.async_copy(ones_v, cnt.at[dst_v.at[j0]], semc, add=True)
            pltpu.make_async_copy(
                table.at[src_v.at[pl.ds(j1 * CHUNK, CHUNK)]], rows1_v,
                sem1).wait()
            pltpu.async_copy(rows1_v, acc.at[dst_v.at[j1]], sems1, add=True)
            pltpu.make_async_copy(ones_v, cnt.at[dst_v.at[j0]],
                                  semc).wait()
            pltpu.async_copy(ones_v, cnt.at[dst_v.at[j1]], semc, add=True)
            pltpu.make_async_copy(
                rows0_v, acc.at[dst_v.at[j0]], sems0).wait()

            @pl.when(p + 1 < CH // 2)
            def _():
                pltpu.async_copy(
                    table.at[src_v.at[pl.ds((j0 + 2) * CHUNK, CHUNK)]],
                    rows0_v, sem0)

            pltpu.make_async_copy(
                rows1_v, acc.at[dst_v.at[j1]], sems1).wait()
            pltpu.make_async_copy(ones_v, cnt.at[dst_v.at[j1]],
                                  semc).wait()

            @pl.when(p + 1 < CH // 2)
            def _():
                pltpu.async_copy(
                    table.at[src_v.at[pl.ds((j1 + 2) * CHUNK, CHUNK)]],
                    rows1_v, sem1)
            return cc

        lax.fori_loop(0, CH // 2, pair_step, 0)
        plsc.subcore_barrier()

        def dump_step(k, cc):
            base = row_base(k)
            pltpu.sync_copy(acc.at[pl.ds(base, CHUNK)],
                            g_out.at[e, c, pl.ds(base, CHUNK)])
            pltpu.sync_copy(cnt.at[pl.ds(base, CHUNK)],
                            cnt_out.at[e, c, pl.ds(base, CHUNK)])
            return cc

        lax.fori_loop(0, KPT, dump_step, 0)
        plsc.subcore_barrier()
        return carry

    lax.fori_loop(0, NREL, per_etype, 0)


def _make_seg_kernel():
    mesh = plsc.VectorSubcoreMesh(core_axis_name="c", subcore_axis_name="s")
    out_type = (
        jax.ShapeDtypeStruct((NREL, NC, OUT_H, DD), jnp.bfloat16),
        jax.ShapeDtypeStruct((NREL, NC, OUT_H, CNTW), jnp.float32),
    )
    scratch = [
        pltpu.VMEM((CH * CHUNK,), jnp.int32),
        pltpu.VMEM((CH, CHUNK), jnp.int32),
        pltpu.VMEM((CHUNK, DD), jnp.bfloat16),
        pltpu.VMEM((CHUNK, DD), jnp.bfloat16),
        pltpu.VMEM((CHUNK, CNTW), jnp.float32),
        pltpu.VMEM((CHUNK, DD), jnp.bfloat16),
        pltpu.VMEM((CHUNK, CNTW), jnp.float32),
        pltpu.VMEM_SHARED((ACC_H, DD), jnp.bfloat16),
        pltpu.VMEM_SHARED((ACC_H, CNTW), jnp.float32),
        pltpu.SemaphoreType.DMA,
        pltpu.SemaphoreType.DMA,
        pltpu.SemaphoreType.DMA,
        pltpu.SemaphoreType.DMA,
        pltpu.SemaphoreType.DMA,
    ]
    return pl.kernel(
        _seg_body,
        out_type=out_type,
        mesh=mesh,
        scratch_types=scratch,
        compiler_params=pltpu.CompilerParams(use_tc_tiling_on_sc=False),
    )


_seg = _make_seg_kernel()

BR = 1000
NBLK = HALF // BR


def _tc_body(relu, gp, cp, w, b, out):
    g = gp[:, 0].astype(jnp.float32)
    cnt = cp[:, 0, :, 0]
    denom = jnp.maximum(cnt, 1.0)
    ind = (cnt > 0.0).astype(jnp.float32)
    acc = jnp.zeros((BR, DD), jnp.float32)
    for e in range(NREL):
        gn = g[e] * (1.0 / denom[e])[:, None]
        acc = acc + jnp.dot(gn, w[e], preferred_element_type=jnp.float32)
        acc = acc + ind[e][:, None] * b[e][None, :]
    if relu:
        acc = jnp.maximum(acc, 0.0)
    out[...] = acc.astype(out.dtype)


def _make_tc_layer(relu, out_dtype):
    return pl.pallas_call(
        functools.partial(_tc_body, relu),
        grid=(NN // BR,),
        in_specs=[
            pl.BlockSpec((NREL, 1, BR, DD),
                         lambda i: (0, i // NBLK, i % NBLK, 0)),
            pl.BlockSpec((NREL, 1, BR, CNTW),
                         lambda i: (0, i // NBLK, i % NBLK, 0)),
            pl.BlockSpec((NREL, DD, DD), lambda i: (0, 0, 0)),
            pl.BlockSpec((NREL, DD), lambda i: (0, 0)),
        ],
        out_specs=pl.BlockSpec((BR, DD), lambda i: (i, 0)),
        out_shape=jax.ShapeDtypeStruct((NN, DD), out_dtype),
    )


_tc_relu = _make_tc_layer(True, jnp.bfloat16)
_tc_lin = _make_tc_layer(False, jnp.float32)


def kernel(feat, edge_index_rel0, edge_index_rel1, edge_index_rel2,
           W1_rel0, b1_rel0, W1_rel1, b1_rel1, W1_rel2, b1_rel2,
           W2_rel0, b2_rel0, W2_rel1, b2_rel1, W2_rel2, b2_rel2):
    src = jnp.stack([edge_index_rel0[0], edge_index_rel1[0], edge_index_rel2[0]])
    dst = jnp.stack([edge_index_rel0[1], edge_index_rel1[1], edge_index_rel2[1]])
    pad = EPAD - EE
    srcp = jnp.concatenate(
        [src, jnp.zeros((NREL, pad), jnp.int32)], axis=1
    ).reshape(NREL * NS * CH * CHUNK)
    dstp_cores = []
    dpad = jnp.concatenate([dst, jnp.full((NREL, pad), NN, jnp.int32)], axis=1)
    for c in range(NC):
        dl = dpad - c * HALF
        dl = jnp.where((dl >= 0) & (dl < HALF), dl, HALF)
        dstp_cores.append(dl.reshape(NREL * NS * CH, CHUNK))
    dstp = jnp.concatenate(dstp_cores)

    ones16 = jnp.ones((CHUNK, CNTW), jnp.float32)
    zeros128 = jnp.zeros((CHUNK, DD), jnp.bfloat16)
    zeros16 = jnp.zeros((CHUNK, CNTW), jnp.float32)
    feat = feat.astype(jnp.bfloat16)

    w1 = jnp.stack([W1_rel0, W1_rel1, W1_rel2])
    b1 = jnp.stack([b1_rel0, b1_rel1, b1_rel2])
    w2 = jnp.stack([W2_rel0, W2_rel1, W2_rel2])
    b2 = jnp.stack([b2_rel0, b2_rel1, b2_rel2])

    g1, cnt1 = _seg(feat, srcp, dstp, ones16, zeros128, zeros16)
    h1 = _tc_relu(g1, cnt1, w1, b1)
    g2, _ = _seg(h1, srcp, dstp, ones16, zeros128, zeros16)
    out = _tc_lin(g2, cnt1, w2, b2)
    return out

# --- scband reference (transcript-rebuilt; emitter-appended) ---
"""Pipeline reference for scband-hetero-rgcn-6133213298978 (READ-ONLY COPY).

The authoritative reference and input builder live on the scoring server;
editing this copy changes nothing except your own understanding.
"""

import jax, jax.numpy as jnp
import numpy as np

N = 10000
E = 160000
IN = 128
HID = 128
OUT = 128
ETYPES = ['rel0', 'rel1', 'rel2']


def setup_inputs(seed: int = 0) -> dict:
    key = jax.random.key(seed)
    ks = jax.random.split(key, 32)
    inp = {}
    inp['feat'] = jax.random.normal(ks[0], (N, IN), dtype=jnp.float32)
    for i, e in enumerate(ETYPES):
        inp['edge_index_%s' % e] = jax.random.randint(ks[1 + i], (2, E), 0, N, dtype=jnp.int32)
    # layer-1 per-etype Linear(in_size -> hidden_size)
    for i, e in enumerate(ETYPES):
        inp['W1_%s' % e] = jax.random.normal(ks[4 + 2 * i], (IN, HID), dtype=jnp.float32) / np.sqrt(IN)
        inp['b1_%s' % e] = jnp.zeros((HID,), dtype=jnp.float32)
    # layer-2 per-etype Linear(hidden_size -> out_size)
    for i, e in enumerate(ETYPES):
        inp['W2_%s' % e] = jax.random.normal(ks[16 + 2 * i], (HID, OUT), dtype=jnp.float32) / np.sqrt(HID)
        inp['b2_%s' % e] = jnp.zeros((OUT,), dtype=jnp.float32)
    return inp


def _hetero_layer(h, edge_list, W_list, b_list, out_dim):
    # for each etype: Wh = Linear(h); message = copy_u(Wh); reduce = mean over dst;
    # cross-etype aggregation = 'sum'
    acc = jnp.zeros((N, out_dim), dtype=h.dtype)
    for edges, W, b in zip(edge_list, W_list, b_list):
        Wh = h @ W + b
        src = edges[0]
        dst = edges[1]
        msg = jnp.take(Wh, src, axis=0)
        msum = jax.ops.segment_sum(msg, dst, num_segments=N)
        cnt = jax.ops.segment_sum(jnp.ones((src.shape[0],), dtype=h.dtype), dst, num_segments=N)
        acc = acc + msum / jnp.maximum(cnt, 1.0)[:, None]
    return acc


def reference(feat, edge_index_rel0, edge_index_rel1, edge_index_rel2,
              W1_rel0, b1_rel0, W1_rel1, b1_rel1, W1_rel2, b1_rel2,
              W2_rel0, b2_rel0, W2_rel1, b2_rel1, W2_rel2, b2_rel2):
    edges = [edge_index_rel0, edge_index_rel1, edge_index_rel2]
    h = _hetero_layer(feat, edges, [W1_rel0, W1_rel1, W1_rel2], [b1_rel0, b1_rel1, b1_rel2], HID)
    h = jax.nn.relu(h)
    h = _hetero_layer(h, edges, [W2_rel0, W2_rel1, W2_rel2], [b2_rel0, b2_rel1, b2_rel2], OUT)
    return h

if __name__ == "__main__":
    import jax
    _d = setup_inputs()
    print(jax.jit(kernel)(*tuple(_d.values())))

</pallas_src>

<mosaic_0001>
#map = affine_map<(d0, d1) -> (0, 0)>
#map1 = affine_map<(d0, d1) -> (0)>
#map2 = affine_map<(d0, d1) -> (0, 0, 0, 0)>
module attributes {stable_mosaic.version = 14 : i64} {
  func.func @_seg_body(%arg0: i32, %arg1: i32, %arg2: memref<10000x128xbf16, #tpu.memory_space<hbm>>, %arg3: memref<491520xi32, #tpu.memory_space<hbm>>, %arg4: memref<7680x128xi32, #tpu.memory_space<hbm>>, %arg5: memref<128x16xf32, #tpu.memory_space<hbm>>, %arg6: memref<128x128xbf16, #tpu.memory_space<hbm>>, %arg7: memref<128x16xf32, #tpu.memory_space<hbm>>, %arg8: memref<3x2x5000x128xbf16, #tpu.memory_space<hbm>>, %arg9: memref<3x2x5000x16xf32, #tpu.memory_space<hbm>>, %arg10: memref<10240xi32, #tpu.memory_space<vmem>>, %arg11: memref<80x128xi32, #tpu.memory_space<vmem>>, %arg12: memref<128x128xbf16, #tpu.memory_space<vmem>>, %arg13: memref<128x128xbf16, #tpu.memory_space<vmem>>, %arg14: memref<128x16xf32, #tpu.memory_space<vmem>>, %arg15: memref<128x128xbf16, #tpu.memory_space<vmem>>, %arg16: memref<128x16xf32, #tpu.memory_space<vmem>>, %arg17: memref<5001x128xbf16, #tpu.memory_space<vmem_shared>>, %arg18: memref<5001x16xf32, #tpu.memory_space<vmem_shared>>, %arg19: memref<!tpu.dma_semaphore, #tpu.memory_space<semaphore_mem>>, %arg20: memref<!tpu.dma_semaphore, #tpu.memory_space<semaphore_mem>>, %arg21: memref<!tpu.dma_semaphore, #tpu.memory_space<semaphore_mem>>, %arg22: memref<!tpu.dma_semaphore, #tpu.memory_space<semaphore_mem>>, %arg23: memref<!tpu.dma_semaphore, #tpu.memory_space<semaphore_mem>>) attributes {dimension_semantics = [#tpu.dimension_semantics<core_parallel>, #tpu.dimension_semantics<subcore_parallel>], iteration_bounds = array<i64: 2, 16>, scalar_prefetch = 0 : i64, scratch_operands = 14 : i64, tpu.core_type = #tpu.core_type<sc_vector_subcore>, window_params = [{transform_indices = #map}, {transform_indices = #map1}, {transform_indices = #map}, {transform_indices = #map}, {transform_indices = #map}, {transform_indices = #map}, {transform_indices = #map2}, {transform_indices = #map2}]} {
    "tpu.region"() ({
      %run_scoped3A = tpu.sem_alloc : memref<!tpu.dma_semaphore, #tpu.memory_space<semaphore_mem>>
      tpu.enqueue_dma source(%arg6 : memref<128x128xbf16, #tpu.memory_space<hbm>>) target(%arg15 : memref<128x128xbf16, #tpu.memory_space<vmem>>) target_semaphore(%run_scoped3A : memref<!tpu.dma_semaphore, #tpu.memory_space<semaphore_mem>>)
      tpu.wait_dma2 semaphore(%run_scoped3A : memref<!tpu.dma_semaphore, #tpu.memory_space<semaphore_mem>>) src(%arg6 : memref<128x128xbf16, #tpu.memory_space<hbm>>) dst(%arg15 : memref<128x128xbf16, #tpu.memory_space<vmem>>)
      tpu.yield
    }) : () -> ()
    "tpu.region"() ({
      %run_scoped3A = tpu.sem_alloc : memref<!tpu.dma_semaphore, #tpu.memory_space<semaphore_mem>>
      tpu.enqueue_dma source(%arg5 : memref<128x16xf32, #tpu.memory_space<hbm>>) target(%arg14 : memref<128x16xf32, #tpu.memory_space<vmem>>) target_semaphore(%run_scoped3A : memref<!tpu.dma_semaphore, #tpu.memory_space<semaphore_mem>>)
      tpu.wait_dma2 semaphore(%run_scoped3A : memref<!tpu.dma_semaphore, #tpu.memory_space<semaphore_mem>>) src(%arg5 : memref<128x16xf32, #tpu.memory_space<hbm>>) dst(%arg14 : memref<128x16xf32, #tpu.memory_space<vmem>>)
      tpu.yield
    }) : () -> ()
    "tpu.region"() ({
      %run_scoped3A = tpu.sem_alloc : memref<!tpu.dma_semaphore, #tpu.memory_space<semaphore_mem>>
      tpu.enqueue_dma source(%arg7 : memref<128x16xf32, #tpu.memory_space<hbm>>) target(%arg16 : memref<128x16xf32, #tpu.memory_space<vmem>>) target_semaphore(%run_scoped3A : memref<!tpu.dma_semaphore, #tpu.memory_space<semaphore_mem>>)
      tpu.wait_dma2 semaphore(%run_scoped3A : memref<!tpu.dma_semaphore, #tpu.memory_space<semaphore_mem>>) src(%arg7 : memref<128x16xf32, #tpu.memory_space<hbm>>) dst(%arg16 : memref<128x16xf32, #tpu.memory_space<vmem>>)
      tpu.yield
    }) : () -> ()
    %scan3A = arith.constant 0 : i32
    %scan3A_0 = arith.constant 0 : i32
    %scan3A_1 = arith.constant 3 : i32
    %scan3A_2 = arith.addi %scan3A_0, %scan3A_1 : i32
    %scan3A_3 = arith.constant 1 : i32
    scf.for %scan3A_5 = %scan3A_0 to %scan3A_2 step %scan3A_3  : i32 {
      %scan3A_6 = arith.constant 0 : i32
      %scan3A_7 = arith.constant 0 : i32
      %scan3A_8 = arith.constant 3 : i32
      %scan3A_9 = arith.addi %scan3A_7, %scan3A_8 : i32
      %scan3A_10 = arith.constant 1 : i32
      scf.for %scan3A_48 = %scan3A_7 to %scan3A_9 step %scan3A_10  : i32 {
        %mul3A_49 = arith.constant 16 : i32
        %mul3A_50 = arith.muli %mul3A_49, %scan3A_48 : i32
        %add3A_51 = arith.addi %arg1, %mul3A_50 : i32
        %mul3A_52 = arith.constant 128 : i32
        %mul3A_53 = arith.muli %add3A_51, %mul3A_52 : i32
        %min3A = arith.constant 4872 : i32
        %min3A_54 = arith.minsi %mul3A_53, %min3A : i32
        "tpu.region"() ({
          %run_scoped3A = tpu.sem_alloc : memref<!tpu.dma_semaphore, #tpu.memory_space<semaphore_mem>>
          %dma_start3A_55 = arith.constant 0 : i32
          %dma_start3A_56 = tpu.memref_slice %arg17[%min3A_54, %dma_start3A_55] : memref<5001x128xbf16, #tpu.memory_space<vmem_shared>> -> memref<128x128xbf16, #tpu.memory_space<vmem_shared>>
          %dma_start3A_57 = arith.constant 0 : i32
          %dma_start3A_58 = tpu.memref_slice %arg17[%min3A_54, %dma_start3A_57] : memref<5001x128xbf16, #tpu.memory_space<vmem_shared>> -> memref<128x128xbf16, #tpu.memory_space<vmem_shared>>
          tpu.enqueue_dma source(%arg15 : memref<128x128xbf16, #tpu.memory_space<vmem>>) target(%dma_start3A_58 : memref<128x128xbf16, #tpu.memory_space<vmem_shared>>) target_semaphore(%run_scoped3A : memref<!tpu.dma_semaphore, #tpu.memory_space<semaphore_mem>>)
          %dma_wait3A = arith.constant 0 : i32
          %dma_wait3A_59 = tpu.memref_slice %arg17[%min3A_54, %dma_wait3A] : memref<5001x128xbf16, #tpu.memory_space<vmem_shared>> -> memref<128x128xbf16, #tpu.memory_space<vmem_shared>>
          %dma_wait3A_60 = arith.constant 0 : i32
          %dma_wait3A_61 = tpu.memref_slice %arg17[%min3A_54, %dma_wait3A_60] : memref<5001x128xbf16, #tpu.memory_space<vmem_shared>> -> memref<128x128xbf16, #tpu.memory_space<vmem_shared>>
          tpu.wait_dma2 semaphore(%run_scoped3A : memref<!tpu.dma_semaphore, #tpu.memory_space<semaphore_mem>>) src(%arg15 : memref<128x128xbf16, #tpu.memory_space<vmem>>) dst(%dma_wait3A_61 : memref<128x128xbf16, #tpu.memory_space<vmem_shared>>)
          tpu.yield
        }) : () -> ()
        "tpu.region"() ({
          %run_scoped3A = tpu.sem_alloc : memref<!tpu.dma_semaphore, #tpu.memory_space<semaphore_mem>>
          %dma_start3A_55 = arith.constant 0 : i32
          %dma_start3A_56 = tpu.memref_slice %arg18[%min3A_54, %dma_start3A_55] : memref<5001x16xf32, #tpu.memory_space<vmem_shared>> -> memref<128x16xf32, #tpu.memory_space<vmem_shared>>
          %dma_start3A_57 = arith.constant 0 : i32
          %dma_start3A_58 = tpu.memref_slice %arg18[%min3A_54, %dma_start3A_57] : memref<5001x16xf32, #tpu.memory_space<vmem_shared>> -> memref<128x16xf32, #tpu.memory_space<vmem_shared>>
          tpu.enqueue_dma source(%arg16 : memref<128x16xf32, #tpu.memory_space<vmem>>) target(%dma_start3A_58 : memref<128x16xf32, #tpu.memory_space<vmem_shared>>) target_semaphore(%run_scoped3A : memref<!tpu.dma_semaphore, #tpu.memory_space<semaphore_mem>>)
          %dma_wait3A = arith.constant 0 : i32
          %dma_wait3A_59 = tpu.memref_slice %arg18[%min3A_54, %dma_wait3A] : memref<5001x16xf32, #tpu.memory_space<vmem_shared>> -> memref<128x16xf32, #tpu.memory_space<vmem_shared>>
          %dma_wait3A_60 = arith.constant 0 : i32
          %dma_wait3A_61 = tpu.memref_slice %arg18[%min3A_54, %dma_wait3A_60] : memref<5001x16xf32, #tpu.memory_space<vmem_shared>> -> memref<128x16xf32, #tpu.memory_space<vmem_shared>>
          tpu.wait_dma2 semaphore(%run_scoped3A : memref<!tpu.dma_semaphore, #tpu.memory_space<semaphore_mem>>) src(%arg16 : memref<128x16xf32, #tpu.memory_space<vmem>>) dst(%dma_wait3A_61 : memref<128x16xf32, #tpu.memory_space<vmem_shared>>)
          tpu.yield
        }) : () -> ()
      }
      %scan3A_11 = arith.constant 3 : i32
      %barrier3A = arith.constant 0 : index
      tpu.barrier barrier_id(%barrier3A)
      %mul3A = arith.constant 16 : i32
      %mul3A_12 = arith.muli %scan3A_5, %mul3A : i32
      %add3A = arith.addi %mul3A_12, %arg1 : i32
      %mul3A_13 = arith.constant 80 : i32
      %mul3A_14 = arith.muli %add3A, %mul3A_13 : i32
      %mul3A_15 = arith.constant 128 : i32
      %mul3A_16 = arith.muli %mul3A_14, %mul3A_15 : i32
      "tpu.region"() ({
        %run_scoped3A = tpu.sem_alloc : memref<!tpu.dma_semaphore, #tpu.memory_space<semaphore_mem>>
        %dma_start3A_48 = tpu.memref_slice %arg3[%mul3A_16] : memref<491520xi32, #tpu.memory_space<hbm>> -> memref<10240xi32, #tpu.memory_space<hbm>>
        %dma_start3A_49 = tpu.memref_slice %arg3[%mul3A_16] : memref<491520xi32, #tpu.memory_space<hbm>> -> memref<10240xi32, #tpu.memory_space<hbm>>
        tpu.enqueue_dma source(%dma_start3A_49 : memref<10240xi32, #tpu.memory_space<hbm>>) target(%arg10 : memref<10240xi32, #tpu.memory_space<vmem>>) target_semaphore(%run_scoped3A : memref<!tpu.dma_semaphore, #tpu.memory_space<semaphore_mem>>)
        %dma_wait3A = tpu.memref_slice %arg3[%mul3A_16] : memref<491520xi32, #tpu.memory_space<hbm>> -> memref<10240xi32, #tpu.memory_space<hbm>>
        %dma_wait3A_50 = tpu.memref_slice %arg3[%mul3A_16] : memref<491520xi32, #tpu.memory_space<hbm>> -> memref<10240xi32, #tpu.memory_space<hbm>>
        tpu.wait_dma2 semaphore(%run_scoped3A : memref<!tpu.dma_semaphore, #tpu.memory_space<semaphore_mem>>) src(%dma_wait3A_50 : memref<10240xi32, #tpu.memory_space<hbm>>) dst(%arg10 : memref<10240xi32, #tpu.memory_space<vmem>>)
        tpu.yield
      }) : () -> ()
      %mul3A_17 = arith.constant 3 : i32
      %mul3A_18 = arith.muli %arg0, %mul3A_17 : i32
      %add3A_19 = arith.addi %mul3A_18, %scan3A_5 : i32
      %mul3A_20 = arith.constant 16 : i32
      %mul3A_21 = arith.muli %add3A_19, %mul3A_20 : i32
      %add3A_22 = arith.addi %mul3A_21, %arg1 : i32
      %mul3A_23 = arith.constant 80 : i32
      %mul3A_24 = arith.muli %add3A_22, %mul3A_23 : i32
      "tpu.region"() ({
        %run_scoped3A = tpu.sem_alloc : memref<!tpu.dma_semaphore, #tpu.memory_space<semaphore_mem>>
        %dma_start3A_48 = arith.constant 0 : i32
        %dma_start3A_49 = tpu.memref_slice %arg4[%mul3A_24, %dma_start3A_48] : memref<7680x128xi32, #tpu.memory_space<hbm>> -> memref<80x128xi32, #tpu.memory_space<hbm>>
        %dma_start3A_50 = arith.constant 0 : i32
        %dma_start3A_51 = tpu.memref_slice %arg4[%mul3A_24, %dma_start3A_50] : memref<7680x128xi32, #tpu.memory_space<hbm>> -> memref<80x128xi32, #tpu.memory_space<hbm>>
        tpu.enqueue_dma source(%dma_start3A_51 : memref<80x128xi32, #tpu.memory_space<hbm>>) target(%arg11 : memref<80x128xi32, #tpu.memory_space<vmem>>) target_semaphore(%run_scoped3A : memref<!tpu.dma_semaphore, #tpu.memory_space<semaphore_mem>>)
        %dma_wait3A = arith.constant 0 : i32
        %dma_wait3A_52 = tpu.memref_slice %arg4[%mul3A_24, %dma_wait3A] : memref<7680x128xi32, #tpu.memory_space<hbm>> -> memref<80x128xi32, #tpu.memory_space<hbm>>
        %dma_wait3A_53 = arith.constant 0 : i32
        %dma_wait3A_54 = tpu.memref_slice %arg4[%mul3A_24, %dma_wait3A_53] : memref<7680x128xi32, #tpu.memory_space<hbm>> -> memref<80x128xi32, #tpu.memory_space<hbm>>
        tpu.wait_dma2 semaphore(%run_scoped3A : memref<!tpu.dma_semaphore, #tpu.memory_space<semaphore_mem>>) src(%dma_wait3A_54 : memref<80x128xi32, #tpu.memory_space<hbm>>) dst(%arg11 : memref<80x128xi32, #tpu.memory_space<vmem>>)
        tpu.yield
      }) : () -> ()
      %dma_start3A = arith.constant 0 : i32
      %dma_start3A_25 = tpu.memref_slice %arg10[%dma_start3A] : memref<10240xi32, #tpu.memory_space<vmem>> -> memref<128xi32, #tpu.memory_space<vmem>>
      %dma_start3A_26 = arith.constant 0 : i32
      %dma_start3A_27 = arith.constant 0 : i32
      %dma_start3A_28 = tpu.memref_slice %arg2[%dma_start3A_26, %dma_start3A_27] : memref<10000x128xbf16, #tpu.memory_space<hbm>> -> memref<10000x128xbf16, #tpu.memory_space<hbm>>
      tpu.enqueue_indirect_dma source(%dma_start3A_28 : memref<10000x128xbf16, #tpu.memory_space<hbm>>) target(%arg12 : memref<128x128xbf16, #tpu.memory_space<vmem>>) offsets(%dma_start3A_25 : memref<128xi32, #tpu.memory_space<vmem>>) semaphore(%arg19 : memref<!tpu.dma_semaphore, #tpu.memory_space<semaphore_mem>>)
      %dma_start3A_29 = arith.constant 128 : i32
      %dma_start3A_30 = tpu.memref_slice %arg10[%dma_start3A_29] : memref<10240xi32, #tpu.memory_space<vmem>> -> memref<128xi32, #tpu.memory_space<vmem>>
      %dma_start3A_31 = arith.constant 0 : i32
      %dma_start3A_32 = arith.constant 0 : i32
      %dma_start3A_33 = tpu.memref_slice %arg2[%dma_start3A_31, %dma_start3A_32] : memref<10000x128xbf16, #tpu.memory_space<hbm>> -> memref<10000x128xbf16, #tpu.memory_space<hbm>>
      tpu.enqueue_indirect_dma source(%dma_start3A_33 : memref<10000x128xbf16, #tpu.memory_space<hbm>>) target(%arg13 : memref<128x128xbf16, #tpu.memory_space<vmem>>) offsets(%dma_start3A_30 : memref<128xi32, #tpu.memory_space<vmem>>) semaphore(%arg20 : memref<!tpu.dma_semaphore, #tpu.memory_space<semaphore_mem>>)
      %scan3A_34 = arith.constant 0 : i32
      %scan3A_35 = arith.constant 0 : i32
      %scan3A_36 = arith.constant 40 : i32
      %scan3A_37 = arith.addi %scan3A_35, %scan3A_36 : i32
      %scan3A_38 = arith.constant 1 : i32
      scf.for %scan3A_48 = %scan3A_35 to %scan3A_37 step %scan3A_38  : i32 {
        %mul3A_49 = arith.constant 2 : i32
        %mul3A_50 = arith.muli %mul3A_49, %scan3A_48 : i32
        %mul3A_51 = arith.constant 2 : i32
        %mul3A_52 = arith.muli %mul3A_51, %scan3A_48 : i32
        %add3A_53 = arith.constant 1 : i32
        %add3A_54 = arith.addi %mul3A_52, %add3A_53 : i32
        %mul3A_55 = arith.constant 128 : i32
        %mul3A_56 = arith.muli %mul3A_50, %mul3A_55 : i32
        %dma_wait3A = tpu.memref_slice %arg10[%mul3A_56] : memref<10240xi32, #tpu.memory_space<vmem>> -> memref<128xi32, #tpu.memory_space<vmem>>
        %dma_wait3A_57 = arith.constant 0 : i32
        %dma_wait3A_58 = arith.constant 0 : i32
        %dma_wait3A_59 = tpu.memref_slice %arg2[%dma_wait3A_57, %dma_wait3A_58] : memref<10000x128xbf16, #tpu.memory_space<hbm>> -> memref<10000x128xbf16, #tpu.memory_space<hbm>>
        tpu.wait_indirect_dma semaphore(%arg19 : memref<!tpu.dma_semaphore, #tpu.memory_space<semaphore_mem>>) src(%dma_wait3A_59 : memref<10000x128xbf16, #tpu.memory_space<hbm>>) dst(%arg12 : memref<128x128xbf16, #tpu.memory_space<vmem>>)
        %dma_start3A_60 = arith.constant 0 : i32
        %dma_start3A_61 = tpu.memref_slice %arg11[%mul3A_50, %dma_start3A_60] : memref<80x128xi32, #tpu.memory_space<vmem>> -> memref<1x128xi32, #tpu.memory_space<vmem>>
        %dma_start3A_62 = tpu.memref_squeeze %dma_start3A_61 : memref<1x128xi32, #tpu.memory_space<vmem>> -> memref<128xi32, #tpu.memory_space<vmem>>
        %dma_start3A_63 = arith.constant 0 : i32
        %dma_start3A_64 = arith.constant 0 : i32
        %dma_start3A_65 = tpu.memref_slice %arg17[%dma_start3A_63, %dma_start3A_64] : memref<5001x128xbf16, #tpu.memory_space<vmem_shared>> -> memref<5001x128xbf16, #tpu.memory_space<vmem_shared>>
        tpu.enqueue_indirect_dma source(%arg12 : memref<128x128xbf16, #tpu.memory_space<vmem>>) target(%dma_start3A_65 : memref<5001x128xbf16, #tpu.memory_space<vmem_shared>>) offsets(%dma_start3A_62 : memref<128xi32, #tpu.memory_space<vmem>>) semaphore(%arg21 : memref<!tpu.dma_semaphore, #tpu.memory_space<semaphore_mem>>) {add = true}
        %dma_start3A_66 = arith.constant 0 : i32
        %dma_start3A_67 = tpu.memref_slice %arg11[%mul3A_50, %dma_start3A_66] : memref<80x128xi32, #tpu.memory_space<vmem>> -> memref<1x128xi32, #tpu.memory_space<vmem>>
        %dma_start3A_68 = tpu.memref_squeeze %dma_start3A_67 : memref<1x128xi32, #tpu.memory_space<vmem>> -> memref<128xi32, #tpu.memory_space<vmem>>
        %dma_start3A_69 = arith.constant 0 : i32
        %dma_start3A_70 = arith.constant 0 : i32
        %dma_start3A_71 = tpu.memref_slice %arg18[%dma_start3A_69, %dma_start3A_70] : memref<5001x16xf32, #tpu.memory_space<vmem_shared>> -> memref<5001x16xf32, #tpu.memory_space<vmem_shared>>
        tpu.enqueue_indirect_dma source(%arg14 : memref<128x16xf32, #tpu.memory_space<vmem>>) target(%dma_start3A_71 : memref<5001x16xf32, #tpu.memory_space<vmem_shared>>) offsets(%dma_start3A_68 : memref<128xi32, #tpu.memory_space<vmem>>) semaphore(%arg23 : memref<!tpu.dma_semaphore, #tpu.memory_space<semaphore_mem>>) {add = true}
        %mul3A_72 = arith.constant 128 : i32
        %mul3A_73 = arith.muli %add3A_54, %mul3A_72 : i32
        %dma_wait3A_74 = tpu.memref_slice %arg10[%mul3A_73] : memref<10240xi32, #tpu.memory_space<vmem>> -> memref<128xi32, #tpu.memory_space<vmem>>
        %dma_wait3A_75 = arith.constant 0 : i32
        %dma_wait3A_76 = arith.constant 0 : i32
        %dma_wait3A_77 = tpu.memref_slice %arg2[%dma_wait3A_75, %dma_wait3A_76] : memref<10000x128xbf16, #tpu.memory_space<hbm>> -> memref<10000x128xbf16, #tpu.memory_space<hbm>>
        tpu.wait_indirect_dma semaphore(%arg20 : memref<!tpu.dma_semaphore, #tpu.memory_space<semaphore_mem>>) src(%dma_wait3A_77 : memref<10000x128xbf16, #tpu.memory_space<hbm>>) dst(%arg13 : memref<128x128xbf16, #tpu.memory_space<vmem>>)
        %dma_start3A_78 = arith.constant 0 : i32
        %dma_start3A_79 = tpu.memref_slice %arg11[%add3A_54, %dma_start3A_78] : memref<80x128xi32, #tpu.memory_space<vmem>> -> memref<1x128xi32, #tpu.memory_space<vmem>>
        %dma_start3A_80 = tpu.memref_squeeze %dma_start3A_79 : memref<1x128xi32, #tpu.memory_space<vmem>> -> memref<128xi32, #tpu.memory_space<vmem>>
        %dma_start3A_81 = arith.constant 0 : i32
        %dma_start3A_82 = arith.constant 0 : i32
        %dma_start3A_83 = tpu.memref_slice %arg17[%dma_start3A_81, %dma_start3A_82] : memref<5001x128xbf16, #tpu.memory_space<vmem_shared>> -> memref<5001x128xbf16, #tpu.memory_space<vmem_shared>>
        tpu.enqueue_indirect_dma source(%arg13 : memref<128x128xbf16, #tpu.memory_space<vmem>>) target(%dma_start3A_83 : memref<5001x128xbf16, #tpu.memory_space<vmem_shared>>) offsets(%dma_start3A_80 : memref<128xi32, #tpu.memory_space<vmem>>) semaphore(%arg22 : memref<!tpu.dma_semaphore, #tpu.memory_space<semaphore_mem>>) {add = true}
        %dma_wait3A_84 = arith.constant 0 : i32
        %dma_wait3A_85 = tpu.memref_slice %arg11[%mul3A_50, %dma_wait3A_84] : memref<80x128xi32, #tpu.memory_space<vmem>> -> memref<1x128xi32, #tpu.memory_space<vmem>>
        %dma_wait3A_86 = tpu.memref_squeeze %dma_wait3A_85 : memref<1x128xi32, #tpu.memory_space<vmem>> -> memref<128xi32, #tpu.memory_space<vmem>>
        %dma_wait3A_87 = arith.constant 0 : i32
        %dma_wait3A_88 = arith.constant 0 : i32
        %dma_wait3A_89 = tpu.memref_slice %arg18[%dma_wait3A_87, %dma_wait3A_88] : memref<5001x16xf32, #tpu.memory_space<vmem_shared>> -> memref<5001x16xf32, #tpu.memory_space<vmem_shared>>
        tpu.wait_indirect_dma semaphore(%arg23 : memref<!tpu.dma_semaphore, #tpu.memory_space<semaphore_mem>>) src(%arg14 : memref<128x16xf32, #tpu.memory_space<vmem>>) dst(%dma_wait3A_89 : memref<5001x16xf32, #tpu.memory_space<vmem_shared>>)
        %dma_start3A_90 = arith.constant 0 : i32
        %dma_start3A_91 = tpu.memref_slice %arg11[%add3A_54, %dma_start3A_90] : memref<80x128xi32, #tpu.memory_space<vmem>> -> memref<1x128xi32, #tpu.memory_space<vmem>>
        %dma_start3A_92 = tpu.memref_squeeze %dma_start3A_91 : memref<1x128xi32, #tpu.memory_space<vmem>> -> memref<128xi32, #tpu.memory_space<vmem>>
        %dma_start3A_93 = arith.constant 0 : i32
        %dma_start3A_94 = arith.constant 0 : i32
        %dma_start3A_95 = tpu.memref_slice %arg18[%dma_start3A_93, %dma_start3A_94] : memref<5001x16xf32, #tpu.memory_space<vmem_shared>> -> memref<5001x16xf32, #tpu.memory_space<vmem_shared>>
        tpu.enqueue_indirect_dma source(%arg14 : memref<128x16xf32, #tpu.memory_space<vmem>>) target(%dma_start3A_95 : memref<5001x16xf32, #tpu.memory_space<vmem_shared>>) offsets(%dma_start3A_92 : memref<128xi32, #tpu.memory_space<vmem>>) semaphore(%arg23 : memref<!tpu.dma_semaphore, #tpu.memory_space<semaphore_mem>>) {add = true}
        %dma_wait3A_96 = arith.constant 0 : i32
        %dma_wait3A_97 = tpu.memref_slice %arg11[%mul3A_50, %dma_wait3A_96] : memref<80x128xi32, #tpu.memory_space<vmem>> -> memref<1x128xi32, #tpu.memory_space<vmem>>
        %dma_wait3A_98 = tpu.memref_squeeze %dma_wait3A_97 : memref<1x128xi32, #tpu.memory_space<vmem>> -> memref<128xi32, #tpu.memory_space<vmem>>
        %dma_wait3A_99 = arith.constant 0 : i32
        %dma_wait3A_100 = arith.constant 0 : i32
        %dma_wait3A_101 = tpu.memref_slice %arg17[%dma_wait3A_99, %dma_wait3A_100] : memref<5001x128xbf16, #tpu.memory_space<vmem_shared>> -> memref<5001x128xbf16, #tpu.memory_space<vmem_shared>>
        tpu.wait_indirect_dma semaphore(%arg21 : memref<!tpu.dma_semaphore, #tpu.memory_space<semaphore_mem>>) src(%arg12 : memref<128x128xbf16, #tpu.memory_space<vmem>>) dst(%dma_wait3A_101 : memref<5001x128xbf16, #tpu.memory_space<vmem_shared>>)
        %add3A_102 = arith.constant 1 : i32
        %add3A_103 = arith.addi %scan3A_48, %add3A_102 : i32
        %lt3A = arith.constant 40 : i32
        %lt3A_104 = arith.cmpi slt, %add3A_103, %lt3A : i32
        %convert_element_type3A = arith.extui %lt3A_104 : i1 to i32
        %cond3A = arith.constant 0 : i32
        %cond3A_105 = arith.cmpi ne, %convert_element_type3A, %cond3A : i32
        scf.if %cond3A_105 {
          %add3A_125 = arith.constant 2 : i32
          %add3A_126 = arith.addi %mul3A_50, %add3A_125 : i32
          %mul3A_127 = arith.constant 128 : i32
          %mul3A_128 = arith.muli %add3A_126, %mul3A_127 : i32
          %dma_start3A_129 = tpu.memref_slice %arg10[%mul3A_128] : memref<10240xi32, #tpu.memory_space<vmem>> -> memref<128xi32, #tpu.memory_space<vmem>>
          %dma_start3A_130 = arith.constant 0 : i32
          %dma_start3A_131 = arith.constant 0 : i32
          %dma_start3A_132 = tpu.memref_slice %arg2[%dma_start3A_130, %dma_start3A_131] : memref<10000x128xbf16, #tpu.memory_space<hbm>> -> memref<10000x128xbf16, #tpu.memory_space<hbm>>
          tpu.enqueue_indirect_dma source(%dma_start3A_132 : memref<10000x128xbf16, #tpu.memory_space<hbm>>) target(%arg12 : memref<128x128xbf16, #tpu.memory_space<vmem>>) offsets(%dma_start3A_129 : memref<128xi32, #tpu.memory_space<vmem>>) semaphore(%arg19 : memref<!tpu.dma_semaphore, #tpu.memory_space<semaphore_mem>>)
        } else {
        }
        %dma_wait3A_106 = arith.constant 0 : i32
        %dma_wait3A_107 = tpu.memref_slice %arg11[%add3A_54, %dma_wait3A_106] : memref<80x128xi32, #tpu.memory_space<vmem>> -> memref<1x128xi32, #tpu.memory_space<vmem>>
        %dma_wait3A_108 = tpu.memref_squeeze %dma_wait3A_107 : memref<1x128xi32, #tpu.memory_space<vmem>> -> memref<128xi32, #tpu.memory_space<vmem>>
        %dma_wait3A_109 = arith.constant 0 : i32
        %dma_wait3A_110 = arith.constant 0 : i32
        %dma_wait3A_111 = tpu.memref_slice %arg17[%dma_wait3A_109, %dma_wait3A_110] : memref<5001x128xbf16, #tpu.memory_space<vmem_shared>> -> memref<5001x128xbf16, #tpu.memory_space<vmem_shared>>
        tpu.wait_indirect_dma semaphore(%arg22 : memref<!tpu.dma_semaphore, #tpu.memory_space<semaphore_mem>>) src(%arg13 : memref<128x128xbf16, #tpu.memory_space<vmem>>) dst(%dma_wait3A_111 : memref<5001x128xbf16, #tpu.memory_space<vmem_shared>>)
        %dma_wait3A_112 = arith.constant 0 : i32
        %dma_wait3A_113 = tpu.memref_slice %arg11[%add3A_54, %dma_wait3A_112] : memref<80x128xi32, #tpu.memory_space<vmem>> -> memref<1x128xi32, #tpu.memory_space<vmem>>
        %dma_wait3A_114 = tpu.memref_squeeze %dma_wait3A_113 : memref<1x128xi32, #tpu.memory_space<vmem>> -> memref<128xi32, #tpu.memory_space<vmem>>
        %dma_wait3A_115 = arith.constant 0 : i32
        %dma_wait3A_116 = arith.constant 0 : i32
        %dma_wait3A_117 = tpu.memref_slice %arg18[%dma_wait3A_115, %dma_wait3A_116] : memref<5001x16xf32, #tpu.memory_space<vmem_shared>> -> memref<5001x16xf32, #tpu.memory_space<vmem_shared>>
        tpu.wait_indirect_dma semaphore(%arg23 : memref<!tpu.dma_semaphore, #tpu.memory_space<semaphore_mem>>) src(%arg14 : memref<128x16xf32, #tpu.memory_space<vmem>>) dst(%dma_wait3A_117 : memref<5001x16xf32, #tpu.memory_space<vmem_shared>>)
        %add3A_118 = arith.constant 1 : i32
        %add3A_119 = arith.addi %scan3A_48, %add3A_118 : i32
        %lt3A_120 = arith.constant 40 : i32
        %lt3A_121 = arith.cmpi slt, %add3A_119, %lt3A_120 : i32
        %convert_element_type3A_122 = arith.extui %lt3A_121 : i1 to i32
        %cond3A_123 = arith.constant 0 : i32
        %cond3A_124 = arith.cmpi ne, %convert_element_type3A_122, %cond3A_123 : i32
        scf.if %cond3A_124 {
          %add3A_125 = arith.constant 2 : i32
          %add3A_126 = arith.addi %add3A_54, %add3A_125 : i32
          %mul3A_127 = arith.constant 128 : i32
          %mul3A_128 = arith.muli %add3A_126, %mul3A_127 : i32
          %dma_start3A_129 = tpu.memref_slice %arg10[%mul3A_128] : memref<10240xi32, #tpu.memory_space<vmem>> -> memref<128xi32, #tpu.memory_space<vmem>>
          %dma_start3A_130 = arith.constant 0 : i32
          %dma_start3A_131 = arith.constant 0 : i32
          %dma_start3A_132 = tpu.memref_slice %arg2[%dma_start3A_130, %dma_start3A_131] : memref<10000x128xbf16, #tpu.memory_space<hbm>> -> memref<10000x128xbf16, #tpu.memory_space<hbm>>
          tpu.enqueue_indirect_dma source(%dma_start3A_132 : memref<10000x128xbf16, #tpu.memory_space<hbm>>) target(%arg13 : memref<128x128xbf16, #tpu.memory_space<vmem>>) offsets(%dma_start3A_129 : memref<128xi32, #tpu.memory_space<vmem>>) semaphore(%arg20 : memref<!tpu.dma_semaphore, #tpu.memory_space<semaphore_mem>>)
        } else {
        }
      }
      %scan3A_39 = arith.constant 40 : i32
      %barrier3A_40 = arith.constant 0 : index
      tpu.barrier barrier_id(%barrier3A_40)
      %scan3A_41 = arith.constant 0 : i32
      %scan3A_42 = arith.constant 0 : i32
      %scan3A_43 = arith.constant 3 : i32
      %scan3A_44 = arith.addi %scan3A_42, %scan3A_43 : i32
      %scan3A_45 = arith.constant 1 : i32
      scf.for %scan3A_48 = %scan3A_42 to %scan3A_44 step %scan3A_45  : i32 {
        %mul3A_49 = arith.constant 16 : i32
        %mul3A_50 = arith.muli %mul3A_49, %scan3A_48 : i32
        %add3A_51 = arith.addi %arg1, %mul3A_50 : i32
        %mul3A_52 = arith.constant 128 : i32
        %mul3A_53 = arith.muli %add3A_51, %mul3A_52 : i32
        %min3A = arith.constant 4872 : i32
        %min3A_54 = arith.minsi %mul3A_53, %min3A : i32
        "tpu.region"() ({
          %run_scoped3A = tpu.sem_alloc : memref<!tpu.dma_semaphore, #tpu.memory_space<semaphore_mem>>
          %dma_start3A_55 = arith.constant 0 : i32
          %dma_start3A_56 = tpu.memref_slice %arg8[%scan3A_5, %arg0, %min3A_54, %dma_start3A_55] : memref<3x2x5000x128xbf16, #tpu.memory_space<hbm>> -> memref<1x1x128x128xbf16, #tpu.memory_space<hbm>>
          %dma_start3A_57 = tpu.memref_squeeze %dma_start3A_56 : memref<1x1x128x128xbf16, #tpu.memory_space<hbm>> -> memref<128x128xbf16, #tpu.memory_space<hbm>>
          %dma_start3A_58 = arith.constant 0 : i32
          %dma_start3A_59 = tpu.memref_slice %arg17[%min3A_54, %dma_start3A_58] : memref<5001x128xbf16, #tpu.memory_space<vmem_shared>> -> memref<128x128xbf16, #tpu.memory_space<vmem_shared>>
          tpu.enqueue_dma source(%dma_start3A_59 : memref<128x128xbf16, #tpu.memory_space<vmem_shared>>) target(%dma_start3A_57 : memref<128x128xbf16, #tpu.memory_space<hbm>>) target_semaphore(%run_scoped3A : memref<!tpu.dma_semaphore, #tpu.memory_space<semaphore_mem>>)
          %dma_wait3A = arith.constant 0 : i32
          %dma_wait3A_60 = tpu.memref_slice %arg8[%scan3A_5, %arg0, %min3A_54, %dma_wait3A] : memref<3x2x5000x128xbf16, #tpu.memory_space<hbm>> -> memref<1x1x128x128xbf16, #tpu.memory_space<hbm>>
          %dma_wait3A_61 = tpu.memref_squeeze %dma_wait3A_60 : memref<1x1x128x128xbf16, #tpu.memory_space<hbm>> -> memref<128x128xbf16, #tpu.memory_space<hbm>>
          %dma_wait3A_62 = arith.constant 0 : i32
          %dma_wait3A_63 = tpu.memref_slice %arg17[%min3A_54, %dma_wait3A_62] : memref<5001x128xbf16, #tpu.memory_space<vmem_shared>> -> memref<128x128xbf16, #tpu.memory_space<vmem_shared>>
          tpu.wait_dma2 semaphore(%run_scoped3A : memref<!tpu.dma_semaphore, #tpu.memory_space<semaphore_mem>>) src(%dma_wait3A_63 : memref<128x128xbf16, #tpu.memory_space<vmem_shared>>) dst(%dma_wait3A_61 : memref<128x128xbf16, #tpu.memory_space<hbm>>)
          tpu.yield
        }) : () -> ()
        "tpu.region"() ({
          %run_scoped3A = tpu.sem_alloc : memref<!tpu.dma_semaphore, #tpu.memory_space<semaphore_mem>>
          %dma_start3A_55 = arith.constant 0 : i32
          %dma_start3A_56 = tpu.memref_slice %arg9[%scan3A_5, %arg0, %min3A_54, %dma_start3A_55] : memref<3x2x5000x16xf32, #tpu.memory_space<hbm>> -> memref<1x1x128x16xf32, #tpu.memory_space<hbm>>
          %dma_start3A_57 = tpu.memref_squeeze %dma_start3A_56 : memref<1x1x128x16xf32, #tpu.memory_space<hbm>> -> memref<128x16xf32, #tpu.memory_space<hbm>>
          %dma_start3A_58 = arith.constant 0 : i32
          %dma_start3A_59 = tpu.memref_slice %arg18[%min3A_54, %dma_start3A_58] : memref<5001x16xf32, #tpu.memory_space<vmem_shared>> -> memref<128x16xf32, #tpu.memory_space<vmem_shared>>
          tpu.enqueue_dma source(%dma_start3A_59 : memref<128x16xf32, #tpu.memory_space<vmem_shared>>) target(%dma_start3A_57 : memref<128x16xf32, #tpu.memory_space<hbm>>) target_semaphore(%run_scoped3A : memref<!tpu.dma_semaphore, #tpu.memory_space<semaphore_mem>>)
          %dma_wait3A = arith.constant 0 : i32
          %dma_wait3A_60 = tpu.memref_slice %arg9[%scan3A_5, %arg0, %min3A_54, %dma_wait3A] : memref<3x2x5000x16xf32, #tpu.memory_space<hbm>> -> memref<1x1x128x16xf32, #tpu.memory_space<hbm>>
          %dma_wait3A_61 = tpu.memref_squeeze %dma_wait3A_60 : memref<1x1x128x16xf32, #tpu.memory_space<hbm>> -> memref<128x16xf32, #tpu.memory_space<hbm>>
          %dma_wait3A_62 = arith.constant 0 : i32
          %dma_wait3A_63 = tpu.memref_slice %arg18[%min3A_54, %dma_wait3A_62] : memref<5001x16xf32, #tpu.memory_space<vmem_shared>> -> memref<128x16xf32, #tpu.memory_space<vmem_shared>>
          tpu.wait_dma2 semaphore(%run_scoped3A : memref<!tpu.dma_semaphore, #tpu.memory_space<semaphore_mem>>) src(%dma_wait3A_63 : memref<128x16xf32, #tpu.memory_space<vmem_shared>>) dst(%dma_wait3A_61 : memref<128x16xf32, #tpu.memory_space<hbm>>)
          tpu.yield
        }) : () -> ()
      }
      %scan3A_46 = arith.constant 3 : i32
      %barrier3A_47 = arith.constant 0 : index
      tpu.barrier barrier_id(%barrier3A_47)
    }
    %scan3A_4 = arith.constant 3 : i32
    return
  }
}

#map = affine_map<(d0, d1) -> (0, 0)>
#map1 = affine_map<(d0, d1) -> (0)>
#map2 = affine_map<(d0, d1) -> (0, 0, 0, 0)>
module attributes {stable_mosaic.version = 14 : i64} {
  func.func @_seg_body(%arg0: i32, %arg1: i32, %arg2: memref<10000x128xbf16, #tpu.memory_space<hbm>>, %arg3: memref<491520xi32, #tpu.memory_space<hbm>>, %arg4: memref<7680x128xi32, #tpu.memory_space<hbm>>, %arg5: memref<128x16xf32, #tpu.memory_space<hbm>>, %arg6: memref<128x128xbf16, #tpu.memory_space<hbm>>, %arg7: memref<128x16xf32, #tpu.memory_space<hbm>>, %arg8: memref<3x2x5000x128xbf16, #tpu.memory_space<hbm>>, %arg9: memref<3x2x5000x16xf32, #tpu.memory_space<hbm>>, %arg10: memref<10240xi32, #tpu.memory_space<vmem>>, %arg11: memref<80x128xi32, #tpu.memory_space<vmem>>, %arg12: memref<128x128xbf16, #tpu.memory_space<vmem>>, %arg13: memref<128x128xbf16, #tpu.memory_space<vmem>>, %arg14: memref<128x16xf32, #tpu.memory_space<vmem>>, %arg15: memref<128x128xbf16, #tpu.memory_space<vmem>>, %arg16: memref<128x16xf32, #tpu.memory_space<vmem>>, %arg17: memref<5001x128xbf16, #tpu.memory_space<vmem_shared>>, %arg18: memref<5001x16xf32, #tpu.memory_space<vmem_shared>>, %arg19: memref<!tpu.dma_semaphore, #tpu.memory_space<semaphore_mem>>, %arg20: memref<!tpu.dma_semaphore, #tpu.memory_space<semaphore_mem>>, %arg21: memref<!tpu.dma_semaphore, #tpu.memory_space<semaphore_mem>>, %arg22: memref<!tpu.dma_semaphore, #tpu.memory_space<semaphore_mem>>, %arg23: memref<!tpu.dma_semaphore, #tpu.memory_space<semaphore_mem>>) attributes {dimension_semantics = [#tpu.dimension_semantics<core_parallel>, #tpu.dimension_semantics<subcore_parallel>], iteration_bounds = array<i64: 2, 16>, scalar_prefetch = 0 : i64, scratch_operands = 14 : i64, tpu.core_type = #tpu.core_type<sc_vector_subcore>, window_params = [{transform_indices = #map}, {transform_indices = #map1}, {transform_indices = #map}, {transform_indices = #map}, {transform_indices = #map}, {transform_indices = #map}, {transform_indices = #map2}, {transform_indices = #map2}]} {
    "tpu.region"() ({
      %run_scoped3A = tpu.sem_alloc : memref<!tpu.dma_semaphore, #tpu.memory_space<semaphore_mem>>
      tpu.enqueue_dma source(%arg6 : memref<128x128xbf16, #tpu.memory_space<hbm>>) target(%arg15 : memref<128x128xbf16, #tpu.memory_space<vmem>>) target_semaphore(%run_scoped3A : memref<!tpu.dma_semaphore, #tpu.memory_space<semaphore_mem>>)
      tpu.wait_dma2 semaphore(%run_scoped3A : memref<!tpu.dma_semaphore, #tpu.memory_space<semaphore_mem>>) src(%arg6 : memref<128x128xbf16, #tpu.memory_space<hbm>>) dst(%arg15 : memref<128x128xbf16, #tpu.memory_space<vmem>>)
      tpu.yield
    }) : () -> ()
    "tpu.region"() ({
      %run_scoped3A = tpu.sem_alloc : memref<!tpu.dma_semaphore, #tpu.memory_space<semaphore_mem>>
      tpu.enqueue_dma source(%arg5 : memref<128x16xf32, #tpu.memory_space<hbm>>) target(%arg14 : memref<128x16xf32, #tpu.memory_space<vmem>>) target_semaphore(%run_scoped3A : memref<!tpu.dma_semaphore, #tpu.memory_space<semaphore_mem>>)
      tpu.wait_dma2 semaphore(%run_scoped3A : memref<!tpu.dma_semaphore, #tpu.memory_space<semaphore_mem>>) src(%arg5 : memref<128x16xf32, #tpu.memory_space<hbm>>) dst(%arg14 : memref<128x16xf32, #tpu.memory_space<vmem>>)
      tpu.yield
    }) : () -> ()
    "tpu.region"() ({
      %run_scoped3A = tpu.sem_alloc : memref<!tpu.dma_semaphore, #tpu.memory_space<semaphore_mem>>
      tpu.enqueue_dma source(%arg7 : memref<128x16xf32, #tpu.memory_space<hbm>>) target(%arg16 : memref<128x16xf32, #tpu.memory_space<vmem>>) target_semaphore(%run_scoped3A : memref<!tpu.dma_semaphore, #tpu.memory_space<semaphore_mem>>)
      tpu.wait_dma2 semaphore(%run_scoped3A : memref<!tpu.dma_semaphore, #tpu.memory_space<semaphore_mem>>) src(%arg7 : memref<128x16xf32, #tpu.memory_space<hbm>>) dst(%arg16 : memref<128x16xf32, #tpu.memory_space<vmem>>)
      tpu.yield
    }) : () -> ()
    %scan3A = arith.constant 0 : i32
    %scan3A_0 = arith.constant 0 : i32
    %scan3A_1 = arith.constant 3 : i32
    %scan3A_2 = arith.addi %scan3A_0, %scan3A_1 : i32
    %scan3A_3 = arith.constant 1 : i32
    scf.for %scan3A_5 = %scan3A_0 to %scan3A_2 step %scan3A_3  : i32 {
      %scan3A_6 = arith.constant 0 : i32
      %scan3A_7 = arith.constant 0 : i32
      %scan3A_8 = arith.constant 3 : i32
      %scan3A_9 = arith.addi %scan3A_7, %scan3A_8 : i32
      %scan3A_10 = arith.constant 1 : i32
      scf.for %scan3A_48 = %scan3A_7 to %scan3A_9 step %scan3A_10  : i32 {
        %mul3A_49 = arith.constant 16 : i32
        %mul3A_50 = arith.muli %mul3A_49, %scan3A_48 : i32
        %add3A_51 = arith.addi %arg1, %mul3A_50 : i32
        %mul3A_52 = arith.constant 128 : i32
        %mul3A_53 = arith.muli %add3A_51, %mul3A_52 : i32
        %min3A = arith.constant 4872 : i32
        %min3A_54 = arith.minsi %mul3A_53, %min3A : i32
        "tpu.region"() ({
          %run_scoped3A = tpu.sem_alloc : memref<!tpu.dma_semaphore, #tpu.memory_space<semaphore_mem>>
          %dma_start3A_55 = arith.constant 0 : i32
          %dma_start3A_56 = tpu.memref_slice %arg17[%min3A_54, %dma_start3A_55] : memref<5001x128xbf16, #tpu.memory_space<vmem_shared>> -> memref<128x128xbf16, #tpu.memory_space<vmem_shared>>
          %dma_start3A_57 = arith.constant 0 : i32
          %dma_start3A_58 = tpu.memref_slice %arg17[%min3A_54, %dma_start3A_57] : memref<5001x128xbf16, #tpu.memory_space<vmem_shared>> -> memref<128x128xbf16, #tpu.memory_space<vmem_shared>>
          tpu.enqueue_dma source(%arg15 : memref<128x128xbf16, #tpu.memory_space<vmem>>) target(%dma_start3A_58 : memref<128x128xbf16, #tpu.memory_space<vmem_shared>>) target_semaphore(%run_scoped3A : memref<!tpu.dma_semaphore, #tpu.memory_space<semaphore_mem>>)
          %dma_wait3A = arith.constant 0 : i32
          %dma_wait3A_59 = tpu.memref_slice %arg17[%min3A_54, %dma_wait3A] : memref<5001x128xbf16, #tpu.memory_space<vmem_shared>> -> memref<128x128xbf16, #tpu.memory_space<vmem_shared>>
          %dma_wait3A_60 = arith.constant 0 : i32
          %dma_wait3A_61 = tpu.memref_slice %arg17[%min3A_54, %dma_wait3A_60] : memref<5001x128xbf16, #tpu.memory_space<vmem_shared>> -> memref<128x128xbf16, #tpu.memory_space<vmem_shared>>
          tpu.wait_dma2 semaphore(%run_scoped3A : memref<!tpu.dma_semaphore, #tpu.memory_space<semaphore_mem>>) src(%arg15 : memref<128x128xbf16, #tpu.memory_space<vmem>>) dst(%dma_wait3A_61 : memref<128x128xbf16, #tpu.memory_space<vmem_shared>>)
          tpu.yield
        }) : () -> ()
        "tpu.region"() ({
          %run_scoped3A = tpu.sem_alloc : memref<!tpu.dma_semaphore, #tpu.memory_space<semaphore_mem>>
          %dma_start3A_55 = arith.constant 0 : i32
          %dma_start3A_56 = tpu.memref_slice %arg18[%min3A_54, %dma_start3A_55] : memref<5001x16xf32, #tpu.memory_space<vmem_shared>> -> memref<128x16xf32, #tpu.memory_space<vmem_shared>>
          %dma_start3A_57 = arith.constant 0 : i32
          %dma_start3A_58 = tpu.memref_slice %arg18[%min3A_54, %dma_start3A_57] : memref<5001x16xf32, #tpu.memory_space<vmem_shared>> -> memref<128x16xf32, #tpu.memory_space<vmem_shared>>
          tpu.enqueue_dma source(%arg16 : memref<128x16xf32, #tpu.memory_space<vmem>>) target(%dma_start3A_58 : memref<128x16xf32, #tpu.memory_space<vmem_shared>>) target_semaphore(%run_scoped3A : memref<!tpu.dma_semaphore, #tpu.memory_space<semaphore_mem>>)
          %dma_wait3A = arith.constant 0 : i32
          %dma_wait3A_59 = tpu.memref_slice %arg18[%min3A_54, %dma_wait3A] : memref<5001x16xf32, #tpu.memory_space<vmem_shared>> -> memref<128x16xf32, #tpu.memory_space<vmem_shared>>
          %dma_wait3A_60 = arith.constant 0 : i32
          %dma_wait3A_61 = tpu.memref_slice %arg18[%min3A_54, %dma_wait3A_60] : memref<5001x16xf32, #tpu.memory_space<vmem_shared>> -> memref<128x16xf32, #tpu.memory_space<vmem_shared>>
          tpu.wait_dma2 semaphore(%run_scoped3A : memref<!tpu.dma_semaphore, #tpu.memory_space<semaphore_mem>>) src(%arg16 : memref<128x16xf32, #tpu.memory_space<vmem>>) dst(%dma_wait3A_61 : memref<128x16xf32, #tpu.memory_space<vmem_shared>>)
          tpu.yield
        }) : () -> ()
      }
      %scan3A_11 = arith.constant 3 : i32
      %barrier3A = arith.constant 0 : index
      tpu.barrier barrier_id(%barrier3A)
      %mul3A = arith.constant 16 : i32
      %mul3A_12 = arith.muli %scan3A_5, %mul3A : i32
      %add3A = arith.addi %mul3A_12, %arg1 : i32
      %mul3A_13 = arith.constant 80 : i32
      %mul3A_14 = arith.muli %add3A, %mul3A_13 : i32
      %mul3A_15 = arith.constant 128 : i32
      %mul3A_16 = arith.muli %mul3A_14, %mul3A_15 : i32
      "tpu.region"() ({
        %run_scoped3A = tpu.sem_alloc : memref<!tpu.dma_semaphore, #tpu.memory_space<semaphore_mem>>
        %dma_start3A_48 = tpu.memref_slice %arg3[%mul3A_16] : memref<491520xi32, #tpu.memory_space<hbm>> -> memref<10240xi32, #tpu.memory_space<hbm>>
        %dma_start3A_49 = tpu.memref_slice %arg3[%mul3A_16] : memref<491520xi32, #tpu.memory_space<hbm>> -> memref<10240xi32, #tpu.memory_space<hbm>>
        tpu.enqueue_dma source(%dma_start3A_49 : memref<10240xi32, #tpu.memory_space<hbm>>) target(%arg10 : memref<10240xi32, #tpu.memory_space<vmem>>) target_semaphore(%run_scoped3A : memref<!tpu.dma_semaphore, #tpu.memory_space<semaphore_mem>>)
        %dma_wait3A = tpu.memref_slice %arg3[%mul3A_16] : memref<491520xi32, #tpu.memory_space<hbm>> -> memref<10240xi32, #tpu.memory_space<hbm>>
        %dma_wait3A_50 = tpu.memref_slice %arg3[%mul3A_16] : memref<491520xi32, #tpu.memory_space<hbm>> -> memref<10240xi32, #tpu.memory_space<hbm>>
        tpu.wait_dma2 semaphore(%run_scoped3A : memref<!tpu.dma_semaphore, #tpu.memory_space<semaphore_mem>>) src(%dma_wait3A_50 : memref<10240xi32, #tpu.memory_space<hbm>>) dst(%arg10 : memref<10240xi32, #tpu.memory_space<vmem>>)
        tpu.yield
      }) : () -> ()
      %mul3A_17 = arith.constant 3 : i32
      %mul3A_18 = arith.muli %arg0, %mul3A_17 : i32
      %add3A_19 = arith.addi %mul3A_18, %scan3A_5 : i32
      %mul3A_20 = arith.constant 16 : i32
      %mul3A_21 = arith.muli %add3A_19, %mul3A_20 : i32
      %add3A_22 = arith.addi %mul3A_21, %arg1 : i32
      %mul3A_23 = arith.constant 80 : i32
      %mul3A_24 = arith.muli %add3A_22, %mul3A_23 : i32
      "tpu.region"() ({
        %run_scoped3A = tpu.sem_alloc : memref<!tpu.dma_semaphore, #tpu.memory_space<semaphore_mem>>
        %dma_start3A_48 = arith.constant 0 : i32
        %dma_start3A_49 = tpu.memref_slice %arg4[%mul3A_24, %dma_start3A_48] : memref<7680x128xi32, #tpu.memory_space<hbm>> -> memref<80x128xi32, #tpu.memory_space<hbm>>
        %dma_start3A_50 = arith.constant 0 : i32
        %dma_start3A_51 = tpu.memref_slice %arg4[%mul3A_24, %dma_start3A_50] : memref<7680x128xi32, #tpu.memory_space<hbm>> -> memref<80x128xi32, #tpu.memory_space<hbm>>
        tpu.enqueue_dma source(%dma_start3A_51 : memref<80x128xi32, #tpu.memory_space<hbm>>) target(%arg11 : memref<80x128xi32, #tpu.memory_space<vmem>>) target_semaphore(%run_scoped3A : memref<!tpu.dma_semaphore, #tpu.memory_space<semaphore_mem>>)
        %dma_wait3A = arith.constant 0 : i32
        %dma_wait3A_52 = tpu.memref_slice %arg4[%mul3A_24, %dma_wait3A] : memref<7680x128xi32, #tpu.memory_space<hbm>> -> memref<80x128xi32, #tpu.memory_space<hbm>>
        %dma_wait3A_53 = arith.constant 0 : i32
        %dma_wait3A_54 = tpu.memref_slice %arg4[%mul3A_24, %dma_wait3A_53] : memref<7680x128xi32, #tpu.memory_space<hbm>> -> memref<80x128xi32, #tpu.memory_space<hbm>>
        tpu.wait_dma2 semaphore(%run_scoped3A : memref<!tpu.dma_semaphore, #tpu.memory_space<semaphore_mem>>) src(%dma_wait3A_54 : memref<80x128xi32, #tpu.memory_space<hbm>>) dst(%arg11 : memref<80x128xi32, #tpu.memory_space<vmem>>)
        tpu.yield
      }) : () -> ()
      %dma_start3A = arith.constant 0 : i32
      %dma_start3A_25 = tpu.memref_slice %arg10[%dma_start3A] : memref<10240xi32, #tpu.memory_space<vmem>> -> memref<128xi32, #tpu.memory_space<vmem>>
      %dma_start3A_26 = arith.constant 0 : i32
      %dma_start3A_27 = arith.constant 0 : i32
      %dma_start3A_28 = tpu.memref_slice %arg2[%dma_start3A_26, %dma_start3A_27] : memref<10000x128xbf16, #tpu.memory_space<hbm>> -> memref<10000x128xbf16, #tpu.memory_space<hbm>>
      tpu.enqueue_indirect_dma source(%dma_start3A_28 : memref<10000x128xbf16, #tpu.memory_space<hbm>>) target(%arg12 : memref<128x128xbf16, #tpu.memory_space<vmem>>) offsets(%dma_start3A_25 : memref<128xi32, #tpu.memory_space<vmem>>) semaphore(%arg19 : memref<!tpu.dma_semaphore, #tpu.memory_space<semaphore_mem>>)
      %dma_start3A_29 = arith.constant 128 : i32
      %dma_start3A_30 = tpu.memref_slice %arg10[%dma_start3A_29] : memref<10240xi32, #tpu.memory_space<vmem>> -> memref<128xi32, #tpu.memory_space<vmem>>
      %dma_start3A_31 = arith.constant 0 : i32
      %dma_start3A_32 = arith.constant 0 : i32
      %dma_start3A_33 = tpu.memref_slice %arg2[%dma_start3A_31, %dma_start3A_32] : memref<10000x128xbf16, #tpu.memory_space<hbm>> -> memref<10000x128xbf16, #tpu.memory_space<hbm>>
      tpu.enqueue_indirect_dma source(%dma_start3A_33 : memref<10000x128xbf16, #tpu.memory_space<hbm>>) target(%arg13 : memref<128x128xbf16, #tpu.memory_space<vmem>>) offsets(%dma_start3A_30 : memref<128xi32, #tpu.memory_space<vmem>>) semaphore(%arg20 : memref<!tpu.dma_semaphore, #tpu.memory_space<semaphore_mem>>)
      %scan3A_34 = arith.constant 0 : i32
      %scan3A_35 = arith.constant 0 : i32
      %scan3A_36 = arith.constant 40 : i32
      %scan3A_37 = arith.addi %scan3A_35, %scan3A_36 : i32
      %scan3A_38 = arith.constant 1 : i32
      scf.for %scan3A_48 = %scan3A_35 to %scan3A_37 step %scan3A_38  : i32 {
        %mul3A_49 = arith.constant 2 : i32
        %mul3A_50 = arith.muli %mul3A_49, %scan3A_48 : i32
        %mul3A_51 = arith.constant 2 : i32
        %mul3A_52 = arith.muli %mul3A_51, %scan3A_48 : i32
        %add3A_53 = arith.constant 1 : i32
        %add3A_54 = arith.addi %mul3A_52, %add3A_53 : i32
        %mul3A_55 = arith.constant 128 : i32
        %mul3A_56 = arith.muli %mul3A_50, %mul3A_55 : i32
        %dma_wait3A = tpu.memref_slice %arg10[%mul3A_56] : memref<10240xi32, #tpu.memory_space<vmem>> -> memref<128xi32, #tpu.memory_space<vmem>>
        %dma_wait3A_57 = arith.constant 0 : i32
        %dma_wait3A_58 = arith.constant 0 : i32
        %dma_wait3A_59 = tpu.memref_slice %arg2[%dma_wait3A_57, %dma_wait3A_58] : memref<10000x128xbf16, #tpu.memory_space<hbm>> -> memref<10000x128xbf16, #tpu.memory_space<hbm>>
        tpu.wait_indirect_dma semaphore(%arg19 : memref<!tpu.dma_semaphore, #tpu.memory_space<semaphore_mem>>) src(%dma_wait3A_59 : memref<10000x128xbf16, #tpu.memory_space<hbm>>) dst(%arg12 : memref<128x128xbf16, #tpu.memory_space<vmem>>)
        %dma_start3A_60 = arith.constant 0 : i32
        %dma_start3A_61 = tpu.memref_slice %arg11[%mul3A_50, %dma_start3A_60] : memref<80x128xi32, #tpu.memory_space<vmem>> -> memref<1x128xi32, #tpu.memory_space<vmem>>
        %dma_start3A_62 = tpu.memref_squeeze %dma_start3A_61 : memref<1x128xi32, #tpu.memory_space<vmem>> -> memref<128xi32, #tpu.memory_space<vmem>>
        %dma_start3A_63 = arith.constant 0 : i32
        %dma_start3A_64 = arith.constant 0 : i32
        %dma_start3A_65 = tpu.memref_slice %arg17[%dma_start3A_63, %dma_start3A_64] : memref<5001x128xbf16, #tpu.memory_space<vmem_shared>> -> memref<5001x128xbf16, #tpu.memory_space<vmem_shared>>
        tpu.enqueue_indirect_dma source(%arg12 : memref<128x128xbf16, #tpu.memory_space<vmem>>) target(%dma_start3A_65 : memref<5001x128xbf16, #tpu.memory_space<vmem_shared>>) offsets(%dma_start3A_62 : memref<128xi32, #tpu.memory_space<vmem>>) semaphore(%arg21 : memref<!tpu.dma_semaphore, #tpu.memory_space<semaphore_mem>>) {add = true}
        %dma_start3A_66 = arith.constant 0 : i32
        %dma_start3A_67 = tpu.memref_slice %arg11[%mul3A_50, %dma_start3A_66] : memref<80x128xi32, #tpu.memory_space<vmem>> -> memref<1x128xi32, #tpu.memory_space<vmem>>
        %dma_start3A_68 = tpu.memref_squeeze %dma_start3A_67 : memref<1x128xi32, #tpu.memory_space<vmem>> -> memref<128xi32, #tpu.memory_space<vmem>>
        %dma_start3A_69 = arith.constant 0 : i32
        %dma_start3A_70 = arith.constant 0 : i32
        %dma_start3A_71 = tpu.memref_slice %arg18[%dma_start3A_69, %dma_start3A_70] : memref<5001x16xf32, #tpu.memory_space<vmem_shared>> -> memref<5001x16xf32, #tpu.memory_space<vmem_shared>>
        tpu.enqueue_indirect_dma source(%arg14 : memref<128x16xf32, #tpu.memory_space<vmem>>) target(%dma_start3A_71 : memref<5001x16xf32, #tpu.memory_space<vmem_shared>>) offsets(%dma_start3A_68 : memref<128xi32, #tpu.memory_space<vmem>>) semaphore(%arg23 : memref<!tpu.dma_semaphore, #tpu.memory_space<semaphore_mem>>) {add = true}
        %mul3A_72 = arith.constant 128 : i32
        %mul3A_73 = arith.muli %add3A_54, %mul3A_72 : i32
        %dma_wait3A_74 = tpu.memref_slice %arg10[%mul3A_73] : memref<10240xi32, #tpu.memory_space<vmem>> -> memref<128xi32, #tpu.memory_space<vmem>>
        %dma_wait3A_75 = arith.constant 0 : i32
        %dma_wait3A_76 = arith.constant 0 : i32
        %dma_wait3A_77 = tpu.memref_slice %arg2[%dma_wait3A_75, %dma_wait3A_76] : memref<10000x128xbf16, #tpu.memory_space<hbm>> -> memref<10000x128xbf16, #tpu.memory_space<hbm>>
        tpu.wait_indirect_dma semaphore(%arg20 : memref<!tpu.dma_semaphore, #tpu.memory_space<semaphore_mem>>) src(%dma_wait3A_77 : memref<10000x128xbf16, #tpu.memory_space<hbm>>) dst(%arg13 : memref<128x128xbf16, #tpu.memory_space<vmem>>)
        %dma_start3A_78 = arith.constant 0 : i32
        %dma_start3A_79 = tpu.memref_slice %arg11[%add3A_54, %dma_start3A_78] : memref<80x128xi32, #tpu.memory_space<vmem>> -> memref<1x128xi32, #tpu.memory_space<vmem>>
        %dma_start3A_80 = tpu.memref_squeeze %dma_start3A_79 : memref<1x128xi32, #tpu.memory_space<vmem>> -> memref<128xi32, #tpu.memory_space<vmem>>
        %dma_start3A_81 = arith.constant 0 : i32
        %dma_start3A_82 = arith.constant 0 : i32
        %dma_start3A_83 = tpu.memref_slice %arg17[%dma_start3A_81, %dma_start3A_82] : memref<5001x128xbf16, #tpu.memory_space<vmem_shared>> -> memref<5001x128xbf16, #tpu.memory_space<vmem_shared>>
        tpu.enqueue_indirect_dma source(%arg13 : memref<128x128xbf16, #tpu.memory_space<vmem>>) target(%dma_start3A_83 : memref<5001x128xbf16, #tpu.memory_space<vmem_shared>>) offsets(%dma_start3A_80 : memref<128xi32, #tpu.memory_space<vmem>>) semaphore(%arg22 : memref<!tpu.dma_semaphore, #tpu.memory_space<semaphore_mem>>) {add = true}
        %dma_wait3A_84 = arith.constant 0 : i32
        %dma_wait3A_85 = tpu.memref_slice %arg11[%mul3A_50, %dma_wait3A_84] : memref<80x128xi32, #tpu.memory_space<vmem>> -> memref<1x128xi32, #tpu.memory_space<vmem>>
        %dma_wait3A_86 = tpu.memref_squeeze %dma_wait3A_85 : memref<1x128xi32, #tpu.memory_space<vmem>> -> memref<128xi32, #tpu.memory_space<vmem>>
        %dma_wait3A_87 = arith.constant 0 : i32
        %dma_wait3A_88 = arith.constant 0 : i32
        %dma_wait3A_89 = tpu.memref_slice %arg18[%dma_wait3A_87, %dma_wait3A_88] : memref<5001x16xf32, #tpu.memory_space<vmem_shared>> -> memref<5001x16xf32, #tpu.memory_space<vmem_shared>>
        tpu.wait_indirect_dma semaphore(%arg23 : memref<!tpu.dma_semaphore, #tpu.memory_space<semaphore_mem>>) src(%arg14 : memref<128x16xf32, #tpu.memory_space<vmem>>) dst(%dma_wait3A_89 : memref<5001x16xf32, #tpu.memory_space<vmem_shared>>)
        %dma_start3A_90 = arith.constant 0 : i32
        %dma_start3A_91 = tpu.memref_slice %arg11[%add3A_54, %dma_start3A_90] : memref<80x128xi32, #tpu.memory_space<vmem>> -> memref<1x128xi32, #tpu.memory_space<vmem>>
        %dma_start3A_92 = tpu.memref_squeeze %dma_start3A_91 : memref<1x128xi32, #tpu.memory_space<vmem>> -> memref<128xi32, #tpu.memory_space<vmem>>
        %dma_start3A_93 = arith.constant 0 : i32
        %dma_start3A_94 = arith.constant 0 : i32
        %dma_start3A_95 = tpu.memref_slice %arg18[%dma_start3A_93, %dma_start3A_94] : memref<5001x16xf32, #tpu.memory_space<vmem_shared>> -> memref<5001x16xf32, #tpu.memory_space<vmem_shared>>
        tpu.enqueue_indirect_dma source(%arg14 : memref<128x16xf32, #tpu.memory_space<vmem>>) target(%dma_start3A_95 : memref<5001x16xf32, #tpu.memory_space<vmem_shared>>) offsets(%dma_start3A_92 : memref<128xi32, #tpu.memory_space<vmem>>) semaphore(%arg23 : memref<!tpu.dma_semaphore, #tpu.memory_space<semaphore_mem>>) {add = true}
        %dma_wait3A_96 = arith.constant 0 : i32
        %dma_wait3A_97 = tpu.memref_slice %arg11[%mul3A_50, %dma_wait3A_96] : memref<80x128xi32, #tpu.memory_space<vmem>> -> memref<1x128xi32, #tpu.memory_space<vmem>>
        %dma_wait3A_98 = tpu.memref_squeeze %dma_wait3A_97 : memref<1x128xi32, #tpu.memory_space<vmem>> -> memref<128xi32, #tpu.memory_space<vmem>>
        %dma_wait3A_99 = arith.constant 0 : i32
        %dma_wait3A_100 = arith.constant 0 : i32
        %dma_wait3A_101 = tpu.memref_slice %arg17[%dma_wait3A_99, %dma_wait3A_100] : memref<5001x128xbf16, #tpu.memory_space<vmem_shared>> -> memref<5001x128xbf16, #tpu.memory_space<vmem_shared>>
        tpu.wait_indirect_dma semaphore(%arg21 : memref<!tpu.dma_semaphore, #tpu.memory_space<semaphore_mem>>) src(%arg12 : memref<128x128xbf16, #tpu.memory_space<vmem>>) dst(%dma_wait3A_101 : memref<5001x128xbf16, #tpu.memory_space<vmem_shared>>)
        %add3A_102 = arith.constant 1 : i32
        %add3A_103 = arith.addi %scan3A_48, %add3A_102 : i32
        %lt3A = arith.constant 40 : i32
        %lt3A_104 = arith.cmpi slt, %add3A_103, %lt3A : i32
        %convert_element_type3A = arith.extui %lt3A_104 : i1 to i32
        %cond3A = arith.constant 0 : i32
        %cond3A_105 = arith.cmpi ne, %convert_element_type3A, %cond3A : i32
        scf.if %cond3A_105 {
          %add3A_125 = arith.constant 2 : i32
          %add3A_126 = arith.addi %mul3A_50, %add3A_125 : i32
          %mul3A_127 = arith.constant 128 : i32
          %mul3A_128 = arith.muli %add3A_126, %mul3A_127 : i32
          %dma_start3A_129 = tpu.memref_slice %arg10[%mul3A_128] : memref<10240xi32, #tpu.memory_space<vmem>> -> memref<128xi32, #tpu.memory_space<vmem>>
          %dma_start3A_130 = arith.constant 0 : i32
          %dma_start3A_131 = arith.constant 0 : i32
          %dma_start3A_132 = tpu.memref_slice %arg2[%dma_start3A_130, %dma_start3A_131] : memref<10000x128xbf16, #tpu.memory_space<hbm>> -> memref<10000x128xbf16, #tpu.memory_space<hbm>>
          tpu.enqueue_indirect_dma source(%dma_start3A_132 : memref<10000x128xbf16, #tpu.memory_space<hbm>>) target(%arg12 : memref<128x128xbf16, #tpu.memory_space<vmem>>) offsets(%dma_start3A_129 : memref<128xi32, #tpu.memory_space<vmem>>) semaphore(%arg19 : memref<!tpu.dma_semaphore, #tpu.memory_space<semaphore_mem>>)
        } else {
        }
        %dma_wait3A_106 = arith.constant 0 : i32
        %dma_wait3A_107 = tpu.memref_slice %arg11[%add3A_54, %dma_wait3A_106] : memref<80x128xi32, #tpu.memory_space<vmem>> -> memref<1x128xi32, #tpu.memory_space<vmem>>
        %dma_wait3A_108 = tpu.memref_squeeze %dma_wait3A_107 : memref<1x128xi32, #tpu.memory_space<vmem>> -> memref<128xi32, #tpu.memory_space<vmem>>
        %dma_wait3A_109 = arith.constant 0 : i32
        %dma_wait3A_110 = arith.constant 0 : i32
        %dma_wait3A_111 = tpu.memref_slice %arg17[%dma_wait3A_109, %dma_wait3A_110] : memref<5001x128xbf16, #tpu.memory_space<vmem_shared>> -> memref<5001x128xbf16, #tpu.memory_space<vmem_shared>>
        tpu.wait_indirect_dma semaphore(%arg22 : memref<!tpu.dma_semaphore, #tpu.memory_space<semaphore_mem>>) src(%arg13 : memref<128x128xbf16, #tpu.memory_space<vmem>>) dst(%dma_wait3A_111 : memref<5001x128xbf16, #tpu.memory_space<vmem_shared>>)
        %dma_wait3A_112 = arith.constant 0 : i32
        %dma_wait3A_113 = tpu.memref_slice %arg11[%add3A_54, %dma_wait3A_112] : memref<80x128xi32, #tpu.memory_space<vmem>> -> memref<1x128xi32, #tpu.memory_space<vmem>>
        %dma_wait3A_114 = tpu.memref_squeeze %dma_wait3A_113 : memref<1x128xi32, #tpu.memory_space<vmem>> -> memref<128xi32, #tpu.memory_space<vmem>>
        %dma_wait3A_115 = arith.constant 0 : i32
        %dma_wait3A_116 = arith.constant 0 : i32
        %dma_wait3A_117 = tpu.memref_slice %arg18[%dma_wait3A_115, %dma_wait3A_116] : memref<5001x16xf32, #tpu.memory_space<vmem_shared>> -> memref<5001x16xf32, #tpu.memory_space<vmem_shared>>
        tpu.wait_indirect_dma semaphore(%arg23 : memref<!tpu.dma_semaphore, #tpu.memory_space<semaphore_mem>>) src(%arg14 : memref<128x16xf32, #tpu.memory_space<vmem>>) dst(%dma_wait3A_117 : memref<5001x16xf32, #tpu.memory_space<vmem_shared>>)
        %add3A_118 = arith.constant 1 : i32
        %add3A_119 = arith.addi %scan3A_48, %add3A_118 : i32
        %lt3A_120 = arith.constant 40 : i32
        %lt3A_121 = arith.cmpi slt, %add3A_119, %lt3A_120 : i32
        %convert_element_type3A_122 = arith.extui %lt3A_121 : i1 to i32
        %cond3A_123 = arith.constant 0 : i32
        %cond3A_124 = arith.cmpi ne, %convert_element_type3A_122, %cond3A_123 : i32
        scf.if %cond3A_124 {
          %add3A_125 = arith.constant 2 : i32
          %add3A_126 = arith.addi %add3A_54, %add3A_125 : i32
          %mul3A_127 = arith.constant 128 : i32
          %mul3A_128 = arith.muli %add3A_126, %mul3A_127 : i32
          %dma_start3A_129 = tpu.memref_slice %arg10[%mul3A_128] : memref<10240xi32, #tpu.memory_space<vmem>> -> memref<128xi32, #tpu.memory_space<vmem>>
          %dma_start3A_130 = arith.constant 0 : i32
          %dma_start3A_131 = arith.constant 0 : i32
          %dma_start3A_132 = tpu.memref_slice %arg2[%dma_start3A_130, %dma_start3A_131] : memref<10000x128xbf16, #tpu.memory_space<hbm>> -> memref<10000x128xbf16, #tpu.memory_space<hbm>>
          tpu.enqueue_indirect_dma source(%dma_start3A_132 : memref<10000x128xbf16, #tpu.memory_space<hbm>>) target(%arg13 : memref<128x128xbf16, #tpu.memory_space<vmem>>) offsets(%dma_start3A_129 : memref<128xi32, #tpu.memory_space<vmem>>) semaphore(%arg20 : memref<!tpu.dma_semaphore, #tpu.memory_space<semaphore_mem>>)
        } else {
        }
      }
      %scan3A_39 = arith.constant 40 : i32
      %barrier3A_40 = arith.constant 0 : index
      tpu.barrier barrier_id(%barrier3A_40)
      %scan3A_41 = arith.constant 0 : i32
      %scan3A_42 = arith.constant 0 : i32
      %scan3A_43 = arith.constant 3 : i32
      %scan3A_44 = arith.addi %scan3A_42, %scan3A_43 : i32
      %scan3A_45 = arith.constant 1 : i32
      scf.for %scan3A_48 = %scan3A_42 to %scan3A_44 step %scan3A_45  : i32 {
        %mul3A_49 = arith.constant 16 : i32
        %mul3A_50 = arith.muli %mul3A_49, %scan3A_48 : i32
        %add3A_51 = arith.addi %arg1, %mul3A_50 : i32
        %mul3A_52 = arith.constant 128 : i32
        %mul3A_53 = arith.muli %add3A_51, %mul3A_52 : i32
        %min3A = arith.constant 4872 : i32
        %min3A_54 = arith.minsi %mul3A_53, %min3A : i32
        "tpu.region"() ({
          %run_scoped3A = tpu.sem_alloc : memref<!tpu.dma_semaphore, #tpu.memory_space<semaphore_mem>>
          %dma_start3A_55 = arith.constant 0 : i32
          %dma_start3A_56 = tpu.memref_slice %arg8[%scan3A_5, %arg0, %min3A_54, %dma_start3A_55] : memref<3x2x5000x128xbf16, #tpu.memory_space<hbm>> -> memref<1x1x128x128xbf16, #tpu.memory_space<hbm>>
          %dma_start3A_57 = tpu.memref_squeeze %dma_start3A_56 : memref<1x1x128x128xbf16, #tpu.memory_space<hbm>> -> memref<128x128xbf16, #tpu.memory_space<hbm>>
          %dma_start3A_58 = arith.constant 0 : i32
          %dma_start3A_59 = tpu.memref_slice %arg17[%min3A_54, %dma_start3A_58] : memref<5001x128xbf16, #tpu.memory_space<vmem_shared>> -> memref<128x128xbf16, #tpu.memory_space<vmem_shared>>
          tpu.enqueue_dma source(%dma_start3A_59 : memref<128x128xbf16, #tpu.memory_space<vmem_shared>>) target(%dma_start3A_57 : memref<128x128xbf16, #tpu.memory_space<hbm>>) target_semaphore(%run_scoped3A : memref<!tpu.dma_semaphore, #tpu.memory_space<semaphore_mem>>)
          %dma_wait3A = arith.constant 0 : i32
          %dma_wait3A_60 = tpu.memref_slice %arg8[%scan3A_5, %arg0, %min3A_54, %dma_wait3A] : memref<3x2x5000x128xbf16, #tpu.memory_space<hbm>> -> memref<1x1x128x128xbf16, #tpu.memory_space<hbm>>
          %dma_wait3A_61 = tpu.memref_squeeze %dma_wait3A_60 : memref<1x1x128x128xbf16, #tpu.memory_space<hbm>> -> memref<128x128xbf16, #tpu.memory_space<hbm>>
          %dma_wait3A_62 = arith.constant 0 : i32
          %dma_wait3A_63 = tpu.memref_slice %arg17[%min3A_54, %dma_wait3A_62] : memref<5001x128xbf16, #tpu.memory_space<vmem_shared>> -> memref<128x128xbf16, #tpu.memory_space<vmem_shared>>
          tpu.wait_dma2 semaphore(%run_scoped3A : memref<!tpu.dma_semaphore, #tpu.memory_space<semaphore_mem>>) src(%dma_wait3A_63 : memref<128x128xbf16, #tpu.memory_space<vmem_shared>>) dst(%dma_wait3A_61 : memref<128x128xbf16, #tpu.memory_space<hbm>>)
          tpu.yield
        }) : () -> ()
        "tpu.region"() ({
          %run_scoped3A = tpu.sem_alloc : memref<!tpu.dma_semaphore, #tpu.memory_space<semaphore_mem>>
          %dma_start3A_55 = arith.constant 0 : i32
          %dma_start3A_56 = tpu.memref_slice %arg9[%scan3A_5, %arg0, %min3A_54, %dma_start3A_55] : memref<3x2x5000x16xf32, #tpu.memory_space<hbm>> -> memref<1x1x128x16xf32, #tpu.memory_space<hbm>>
          %dma_start3A_57 = tpu.memref_squeeze %dma_start3A_56 : memref<1x1x128x16xf32, #tpu.memory_space<hbm>> -> memref<128x16xf32, #tpu.memory_space<hbm>>
          %dma_start3A_58 = arith.constant 0 : i32
          %dma_start3A_59 = tpu.memref_slice %arg18[%min3A_54, %dma_start3A_58] : memref<5001x16xf32, #tpu.memory_space<vmem_shared>> -> memref<128x16xf32, #tpu.memory_space<vmem_shared>>
          tpu.enqueue_dma source(%dma_start3A_59 : memref<128x16xf32, #tpu.memory_space<vmem_shared>>) target(%dma_start3A_57 : memref<128x16xf32, #tpu.memory_space<hbm>>) target_semaphore(%run_scoped3A : memref<!tpu.dma_semaphore, #tpu.memory_space<semaphore_mem>>)
          %dma_wait3A = arith.constant 0 : i32
          %dma_wait3A_60 = tpu.memref_slice %arg9[%scan3A_5, %arg0, %min3A_54, %dma_wait3A] : memref<3x2x5000x16xf32, #tpu.memory_space<hbm>> -> memref<1x1x128x16xf32, #tpu.memory_space<hbm>>
          %dma_wait3A_61 = tpu.memref_squeeze %dma_wait3A_60 : memref<1x1x128x16xf32, #tpu.memory_space<hbm>> -> memref<128x16xf32, #tpu.memory_space<hbm>>
          %dma_wait3A_62 = arith.constant 0 : i32
          %dma_wait3A_63 = tpu.memref_slice %arg18[%min3A_54, %dma_wait3A_62] : memref<5001x16xf32, #tpu.memory_space<vmem_shared>> -> memref<128x16xf32, #tpu.memory_space<vmem_shared>>
          tpu.wait_dma2 semaphore(%run_scoped3A : memref<!tpu.dma_semaphore, #tpu.memory_space<semaphore_mem>>) src(%dma_wait3A_63 : memref<128x16xf32, #tpu.memory_space<vmem_shared>>) dst(%dma_wait3A_61 : memref<128x16xf32, #tpu.memory_space<hbm>>)
          tpu.yield
        }) : () -> ()
      }
      %scan3A_46 = arith.constant 3 : i32
      %barrier3A_47 = arith.constant 0 : index
      tpu.barrier barrier_id(%barrier3A_47)
    }
    %scan3A_4 = arith.constant 3 : i32
    return
  }
}

module attributes {stable_mosaic.version = 14 : i64} {
  func.func @_tc_body(%arg0: i32, %arg1: memref<3x1x1000x128xbf16, #tpu.memory_space<vmem>>, %arg2: memref<3x1x1000x16xf32, #tpu.memory_space<vmem>>, %arg3: memref<3x128x128xf32, #tpu.memory_space<vmem>>, %arg4: memref<3x128xf32, #tpu.memory_space<vmem>>, %arg5: memref<1000x128xbf16, #tpu.memory_space<vmem>>) attributes {dimension_semantics = [#tpu.dimension_semantics<arbitrary>], iteration_bounds = array<i64: 10>, scalar_prefetch = 0 : i64, scratch_operands = 0 : i64, tpu.core_type = #tpu.core_type<tc>, window_params = [{transform_indices = @transform_0, window_bounds = array<i64: 3, 1, 1000, 128>}, {transform_indices = @transform_1, window_bounds = array<i64: 3, 1, 1000, 16>}, {pipeline_mode = #tpu.pipeline_mode<synchronous>, transform_indices = @transform_2, window_bounds = array<i64: 3, 128, 128>}, {pipeline_mode = #tpu.pipeline_mode<synchronous>, transform_indices = @transform_3, window_bounds = array<i64: 3, 128>}, {transform_indices = @transform_4, window_bounds = array<i64: 1000, 128>}]} {
    %get3A = arith.constant 0 : index
    %get3A_0 = arith.constant 0 : index
    %get3A_1 = arith.constant 0 : index
    %get3A_2 = arith.constant 0 : index
    %get3A_3 = vector.load %arg1[%get3A, %get3A_0, %get3A_1, %get3A_2] : memref<3x1x1000x128xbf16, #tpu.memory_space<vmem>>, vector<3x1x1000x128xbf16>
    %get3A_4 = vector.shape_cast %get3A_3 : vector<3x1x1000x128xbf16> to vector<3x1000x128xbf16>
    %convert_element_type3A = arith.extf %get3A_4 : vector<3x1000x128xbf16> to vector<3x1000x128xf32>
    %get3A_5 = arith.constant 0 : index
    %get3A_6 = arith.constant 0 : index
    %get3A_7 = arith.constant 0 : index
    %get3A_8 = arith.constant 0 : index
    %get3A_9 = vector.load %arg2[%get3A_5, %get3A_6, %get3A_7, %get3A_8] : memref<3x1x1000x16xf32, #tpu.memory_space<vmem>>, vector<3x1x1000x1xf32>
    %get3A_10 = vector.shape_cast %get3A_9 : vector<3x1x1000x1xf32> to vector<3x1000xf32>
    %max3A = arith.constant 1.000000e+00 : f32
    %max3A_11 = vector.broadcast %max3A : f32 to vector<3x1000xf32>
    %max3A_12 = arith.maximumf %get3A_10, %max3A_11 : vector<3x1000xf32>
    %gt3A = arith.constant 0.000000e+00 : f32
    %gt3A_13 = vector.broadcast %gt3A : f32 to vector<3x1000xf32>
    %gt3A_14 = arith.cmpf ogt, %get3A_10, %gt3A_13 : vector<3x1000xf32>
    %convert_element_type3A_15 = arith.extui %gt3A_14 : vector<3x1000xi1> to vector<3x1000xi32>
    %convert_element_type3A_16 = arith.sitofp %convert_element_type3A_15 : vector<3x1000xi32> to vector<3x1000xf32>
    %broadcast_in_dim3A = arith.constant 0.000000e+00 : f32
    %broadcast_in_dim3A_17 = vector.broadcast %broadcast_in_dim3A : f32 to vector<1000x128xf32>
    %slice3A = vector.extract_strided_slice %convert_element_type3A {offsets = [0, 0, 0], sizes = [1, 1000, 128], strides = [1, 1, 1]} : vector<3x1000x128xf32> to vector<1x1000x128xf32>
    %squeeze3A = vector.shape_cast %slice3A : vector<1x1000x128xf32> to vector<1000x128xf32>
    %slice3A_18 = vector.extract_strided_slice %max3A_12 {offsets = [0, 0], sizes = [1, 1000], strides = [1, 1]} : vector<3x1000xf32> to vector<1x1000xf32>
    %squeeze3A_19 = vector.shape_cast %slice3A_18 : vector<1x1000xf32> to vector<1000xf32>
    %div3A = arith.constant 1.000000e+00 : f32
    %div3A_20 = vector.broadcast %div3A : f32 to vector<1000xf32>
    %div3A_21 = arith.divf %div3A_20, %squeeze3A_19 : vector<1000xf32>
    %broadcast_in_dim3A_22 = vector.shape_cast %div3A_21 : vector<1000xf32> to vector<1000x1xf32>
    %mul3A = vector.broadcast %broadcast_in_dim3A_22 : vector<1000x1xf32> to vector<1000x128xf32>
    %mul3A_23 = arith.mulf %squeeze3A, %mul3A : vector<1000x128xf32>
    %get3A_24 = arith.constant 0 : index
    %get3A_25 = arith.constant 0 : index
    %get3A_26 = arith.constant 0 : index
    %get3A_27 = vector.load %arg3[%get3A_24, %get3A_25, %get3A_26] : memref<3x128x128xf32, #tpu.memory_space<vmem>>, vector<1x128x128xf32>
    %get3A_28 = vector.shape_cast %get3A_27 : vector<1x128x128xf32> to vector<128x128xf32>
    %dot_general3A = arith.constant dense<0.000000e+00> : vector<1000x128xf32>
    %dot_general3A_29 = tpu.matmul %mul3A_23, %get3A_28, %dot_general3A {dimension_numbers = #tpu.dot_dimension_numbers<[1], [0], [0], [1], [0, 0, 1, 1], [], []>, transpose_lhs_hint = false} : vector<1000x128xf32>, vector<128x128xf32>, vector<1000x128xf32> -> vector<1000x128xf32>
    %add3A = arith.addf %broadcast_in_dim3A_17, %dot_general3A_29 : vector<1000x128xf32>
    %slice3A_30 = vector.extract_strided_slice %convert_element_type3A_16 {offsets = [0, 0], sizes = [1, 1000], strides = [1, 1]} : vector<3x1000xf32> to vector<1x1000xf32>
    %squeeze3A_31 = vector.shape_cast %slice3A_30 : vector<1x1000xf32> to vector<1000xf32>
    %broadcast_in_dim3A_32 = vector.shape_cast %squeeze3A_31 : vector<1000xf32> to vector<1000x1xf32>
    %get3A_33 = arith.constant 0 : index
    %get3A_34 = arith.constant 0 : index
    %get3A_35 = vector.load %arg4[%get3A_33, %get3A_34] : memref<3x128xf32, #tpu.memory_space<vmem>>, vector<1x128xf32>
    %get3A_36 = vector.shape_cast %get3A_35 : vector<1x128xf32> to vector<128xf32>
    %broadcast_in_dim3A_37 = vector.shape_cast %get3A_36 : vector<128xf32> to vector<1x128xf32>
    %mul3A_38 = vector.broadcast %broadcast_in_dim3A_32 : vector<1000x1xf32> to vector<1000x128xf32>
    %mul3A_39 = vector.broadcast %broadcast_in_dim3A_37 : vector<1x128xf32> to vector<1000x128xf32>
    %mul3A_40 = arith.mulf %mul3A_38, %mul3A_39 : vector<1000x128xf32>
    %add3A_41 = arith.addf %add3A, %mul3A_40 : vector<1000x128xf32>
    %slice3A_42 = vector.extract_strided_slice %convert_element_type3A {offsets = [1, 0, 0], sizes = [1, 1000, 128], strides = [1, 1, 1]} : vector<3x1000x128xf32> to vector<1x1000x128xf32>
    %squeeze3A_43 = vector.shape_cast %slice3A_42 : vector<1x1000x128xf32> to vector<1000x128xf32>
    %slice3A_44 = vector.extract_strided_slice %max3A_12 {offsets = [1, 0], sizes = [1, 1000], strides = [1, 1]} : vector<3x1000xf32> to vector<1x1000xf32>
    %squeeze3A_45 = vector.shape_cast %slice3A_44 : vector<1x1000xf32> to vector<1000xf32>
    %div3A_46 = arith.constant 1.000000e+00 : f32
    %div3A_47 = vector.broadcast %div3A_46 : f32 to vector<1000xf32>
    %div3A_48 = arith.divf %div3A_47, %squeeze3A_45 : vector<1000xf32>
    %broadcast_in_dim3A_49 = vector.shape_cast %div3A_48 : vector<1000xf32> to vector<1000x1xf32>
    %mul3A_50 = vector.broadcast %broadcast_in_dim3A_49 : vector<1000x1xf32> to vector<1000x128xf32>
    %mul3A_51 = arith.mulf %squeeze3A_43, %mul3A_50 : vector<1000x128xf32>
    %get3A_52 = arith.constant 1 : index
    %get3A_53 = arith.constant 0 : index
    %get3A_54 = arith.constant 0 : index
    %get3A_55 = vector.load %arg3[%get3A_52, %get3A_53, %get3A_54] : memref<3x128x128xf32, #tpu.memory_space<vmem>>, vector<1x128x128xf32>
    %get3A_56 = vector.shape_cast %get3A_55 : vector<1x128x128xf32> to vector<128x128xf32>
    %dot_general3A_57 = arith.constant dense<0.000000e+00> : vector<1000x128xf32>
    %dot_general3A_58 = tpu.matmul %mul3A_51, %get3A_56, %dot_general3A_57 {dimension_numbers = #tpu.dot_dimension_numbers<[1], [0], [0], [1], [0, 0, 1, 1], [], []>, transpose_lhs_hint = false} : vector<1000x128xf32>, vector<128x128xf32>, vector<1000x128xf32> -> vector<1000x128xf32>
    %add3A_59 = arith.addf %add3A_41, %dot_general3A_58 : vector<1000x128xf32>
    %slice3A_60 = vector.extract_strided_slice %convert_element_type3A_16 {offsets = [1, 0], sizes = [1, 1000], strides = [1, 1]} : vector<3x1000xf32> to vector<1x1000xf32>
    %squeeze3A_61 = vector.shape_cast %slice3A_60 : vector<1x1000xf32> to vector<1000xf32>
    %broadcast_in_dim3A_62 = vector.shape_cast %squeeze3A_61 : vector<1000xf32> to vector<1000x1xf32>
    %get3A_63 = arith.constant 1 : index
    %get3A_64 = arith.constant 0 : index
    %get3A_65 = vector.load %arg4[%get3A_63, %get3A_64] : memref<3x128xf32, #tpu.memory_space<vmem>>, vector<1x128xf32>
    %get3A_66 = vector.shape_cast %get3A_65 : vector<1x128xf32> to vector<128xf32>
    %broadcast_in_dim3A_67 = vector.shape_cast %get3A_66 : vector<128xf32> to vector<1x128xf32>
    %mul3A_68 = vector.broadcast %broadcast_in_dim3A_62 : vector<1000x1xf32> to vector<1000x128xf32>
    %mul3A_69 = vector.broadcast %broadcast_in_dim3A_67 : vector<1x128xf32> to vector<1000x128xf32>
    %mul3A_70 = arith.mulf %mul3A_68, %mul3A_69 : vector<1000x128xf32>
    %add3A_71 = arith.addf %add3A_59, %mul3A_70 : vector<1000x128xf32>
    %slice3A_72 = vector.extract_strided_slice %convert_element_type3A {offsets = [2, 0, 0], sizes = [1, 1000, 128], strides = [1, 1, 1]} : vector<3x1000x128xf32> to vector<1x1000x128xf32>
    %squeeze3A_73 = vector.shape_cast %slice3A_72 : vector<1x1000x128xf32> to vector<1000x128xf32>
    %slice3A_74 = vector.extract_strided_slice %max3A_12 {offsets = [2, 0], sizes = [1, 1000], strides = [1, 1]} : vector<3x1000xf32> to vector<1x1000xf32>
    %squeeze3A_75 = vector.shape_cast %slice3A_74 : vector<1x1000xf32> to vector<1000xf32>
    %div3A_76 = arith.constant 1.000000e+00 : f32
    %div3A_77 = vector.broadcast %div3A_76 : f32 to vector<1000xf32>
    %div3A_78 = arith.divf %div3A_77, %squeeze3A_75 : vector<1000xf32>
    %broadcast_in_dim3A_79 = vector.shape_cast %div3A_78 : vector<1000xf32> to vector<1000x1xf32>
    %mul3A_80 = vector.broadcast %broadcast_in_dim3A_79 : vector<1000x1xf32> to vector<1000x128xf32>
    %mul3A_81 = arith.mulf %squeeze3A_73, %mul3A_80 : vector<1000x128xf32>
    %get3A_82 = arith.constant 2 : index
    %get3A_83 = arith.constant 0 : index
    %get3A_84 = arith.constant 0 : index
    %get3A_85 = vector.load %arg3[%get3A_82, %get3A_83, %get3A_84] : memref<3x128x128xf32, #tpu.memory_space<vmem>>, vector<1x128x128xf32>
    %get3A_86 = vector.shape_cast %get3A_85 : vector<1x128x128xf32> to vector<128x128xf32>
    %dot_general3A_87 = arith.constant dense<0.000000e+00> : vector<1000x128xf32>
    %dot_general3A_88 = tpu.matmul %mul3A_81, %get3A_86, %dot_general3A_87 {dimension_numbers = #tpu.dot_dimension_numbers<[1], [0], [0], [1], [0, 0, 1, 1], [], []>, transpose_lhs_hint = false} : vector<1000x128xf32>, vector<128x128xf32>, vector<1000x128xf32> -> vector<1000x128xf32>
    %add3A_89 = arith.addf %add3A_71, %dot_general3A_88 : vector<1000x128xf32>
    %slice3A_90 = vector.extract_strided_slice %convert_element_type3A_16 {offsets = [2, 0], sizes = [1, 1000], strides = [1, 1]} : vector<3x1000xf32> to vector<1x1000xf32>
    %squeeze3A_91 = vector.shape_cast %slice3A_90 : vector<1x1000xf32> to vector<1000xf32>
    %broadcast_in_dim3A_92 = vector.shape_cast %squeeze3A_91 : vector<1000xf32> to vector<1000x1xf32>
    %get3A_93 = arith.constant 2 : index
    %get3A_94 = arith.constant 0 : index
    %get3A_95 = vector.load %arg4[%get3A_93, %get3A_94] : memref<3x128xf32, #tpu.memory_space<vmem>>, vector<1x128xf32>
    %get3A_96 = vector.shape_cast %get3A_95 : vector<1x128xf32> to vector<128xf32>
    %broadcast_in_dim3A_97 = vector.shape_cast %get3A_96 : vector<128xf32> to vector<1x128xf32>
    %mul3A_98 = vector.broadcast %broadcast_in_dim3A_92 : vector<1000x1xf32> to vector<1000x128xf32>
    %mul3A_99 = vector.broadcast %broadcast_in_dim3A_97 : vector<1x128xf32> to vector<1000x128xf32>
    %mul3A_100 = arith.mulf %mul3A_98, %mul3A_99 : vector<1000x128xf32>
    %add3A_101 = arith.addf %add3A_89, %mul3A_100 : vector<1000x128xf32>
    %max3A_102 = arith.constant 0.000000e+00 : f32
    %max3A_103 = vector.broadcast %max3A_102 : f32 to vector<1000x128xf32>
    %max3A_104 = arith.maximumf %add3A_101, %max3A_103 : vector<1000x128xf32>
    %convert_element_type3A_105 = arith.truncf %max3A_104 : vector<1000x128xf32> to vector<1000x128xbf16>
    %swap3A = arith.constant 0 : index
    %swap3A_106 = arith.constant 0 : index
    %swap3A_107 = vector.load %arg5[%swap3A, %swap3A_106] : memref<1000x128xbf16, #tpu.memory_space<vmem>>, vector<1000x128xbf16>
    tpu.vector_store %arg5[%swap3A, %swap3A_106], %convert_element_type3A_105 {strides = array<i32>} : memref<1000x128xbf16, #tpu.memory_space<vmem>>, vector<1000x128xbf16>,
    return
  }
  func.func @transform_0(%arg0: i32) -> (i32, i32, i32, i32) {
    %jit3A = arith.constant 5 : i32
    %div3A = arith.divsi %arg0, %jit3A : i32
    %sign3A = arith.constant 0 : i32
    %sign3A_0 = arith.cmpi sgt, %arg0, %sign3A : i32
    %sign3A_1 = arith.extui %sign3A_0 : i1 to i32
    %sign3A_2 = arith.constant 0 : i32
    %sign3A_3 = arith.cmpi slt, %arg0, %sign3A_2 : i32
    %sign3A_4 = arith.extui %sign3A_3 : i1 to i32
    %sign3A_5 = arith.subi %sign3A_1, %sign3A_4 : i32
    %sign3A_6 = arith.constant 0 : i32
    %sign3A_7 = arith.cmpi sgt, %jit3A, %sign3A_6 : i32
    %sign3A_8 = arith.extui %sign3A_7 : i1 to i32
    %sign3A_9 = arith.constant 0 : i32
    %sign3A_10 = arith.cmpi slt, %jit3A, %sign3A_9 : i32
    %sign3A_11 = arith.extui %sign3A_10 : i1 to i32
    %sign3A_12 = arith.subi %sign3A_8, %sign3A_11 : i32
    %ne3A = arith.cmpi ne, %sign3A_5, %sign3A_12 : i32
    %rem3A = arith.remsi %arg0, %jit3A : i32
    %ne3A_13 = arith.constant 0 : i32
    %ne3A_14 = arith.cmpi ne, %rem3A, %ne3A_13 : i32
    %and3A = arith.andi %ne3A, %ne3A_14 : i1
    %sub3A = arith.constant 1 : i32
    %sub3A_15 = arith.subi %div3A, %sub3A : i32
    %select_n3A = arith.select %and3A, %sub3A_15, %div3A : i32
    %jit3A_16 = arith.constant 5 : i32
    %eq3A = arith.constant 0 : i32
    %eq3A_17 = arith.cmpi eq, %jit3A_16, %eq3A : i32
    %jit3A_18 = arith.constant 1 : i32
    %select_n3A_19 = arith.select %eq3A_17, %jit3A_18, %jit3A_16 : i32
    %rem3A_20 = arith.remsi %arg0, %select_n3A_19 : i32
    %ne3A_21 = arith.constant 0 : i32
    %ne3A_22 = arith.cmpi ne, %rem3A_20, %ne3A_21 : i32
    %lt3A = arith.constant 0 : i32
    %lt3A_23 = arith.cmpi slt, %rem3A_20, %lt3A : i32
    %lt3A_24 = arith.constant 0 : i32
    %lt3A_25 = arith.cmpi slt, %select_n3A_19, %lt3A_24 : i32
    %ne3A_26 = arith.xori %lt3A_23, %lt3A_25 : i1
    %and3A_27 = arith.andi %ne3A_26, %ne3A_22 : i1
    %add3A = arith.addi %rem3A_20, %select_n3A_19 : i32
    %select_n3A_28 = arith.select %and3A_27, %add3A, %rem3A_20 : i32
    %c0_i32 = arith.constant 0 : i32
    %c0_i32_29 = arith.constant 0 : i32
    %c0_i32_30 = arith.constant 0 : i32
    return %c0_i32, %select_n3A, %select_n3A_28, %c0_i32_29 : i32, i32, i32, i32
  }
  func.func @transform_1(%arg0: i32) -> (i32, i32, i32, i32) {
    %jit3A = arith.constant 5 : i32
    %div3A = arith.divsi %arg0, %jit3A : i32
    %sign3A = arith.constant 0 : i32
    %sign3A_0 = arith.cmpi sgt, %arg0, %sign3A : i32
    %sign3A_1 = arith.extui %sign3A_0 : i1 to i32
    %sign3A_2 = arith.constant 0 : i32
    %sign3A_3 = arith.cmpi slt, %arg0, %sign3A_2 : i32
    %sign3A_4 = arith.extui %sign3A_3 : i1 to i32
    %sign3A_5 = arith.subi %sign3A_1, %sign3A_4 : i32
    %sign3A_6 = arith.constant 0 : i32
    %sign3A_7 = arith.cmpi sgt, %jit3A, %sign3A_6 : i32
    %sign3A_8 = arith.extui %sign3A_7 : i1 to i32
    %sign3A_9 = arith.constant 0 : i32
    %sign3A_10 = arith.cmpi slt, %jit3A, %sign3A_9 : i32
    %sign3A_11 = arith.extui %sign3A_10 : i1 to i32
    %sign3A_12 = arith.subi %sign3A_8, %sign3A_11 : i32
    %ne3A = arith.cmpi ne, %sign3A_5, %sign3A_12 : i32
    %rem3A = arith.remsi %arg0, %jit3A : i32
    %ne3A_13 = arith.constant 0 : i32
    %ne3A_14 = arith.cmpi ne, %rem3A, %ne3A_13 : i32
    %and3A = arith.andi %ne3A, %ne3A_14 : i1
    %sub3A = arith.constant 1 : i32
    %sub3A_15 = arith.subi %div3A, %sub3A : i32
    %select_n3A = arith.select %and3A, %sub3A_15, %div3A : i32
    %jit3A_16 = arith.constant 5 : i32
    %eq3A = arith.constant 0 : i32
    %eq3A_17 = arith.cmpi eq, %jit3A_16, %eq3A : i32
    %jit3A_18 = arith.constant 1 : i32
    %select_n3A_19 = arith.select %eq3A_17, %jit3A_18, %jit3A_16 : i32
    %rem3A_20 = arith.remsi %arg0, %select_n3A_19 : i32
    %ne3A_21 = arith.constant 0 : i32
    %ne3A_22 = arith.cmpi ne, %rem3A_20, %ne3A_21 : i32
    %lt3A = arith.constant 0 : i32
    %lt3A_23 = arith.cmpi slt, %rem3A_20, %lt3A : i32
    %lt3A_24 = arith.constant 0 : i32
    %lt3A_25 = arith.cmpi slt, %select_n3A_19, %lt3A_24 : i32
    %ne3A_26 = arith.xori %lt3A_23, %lt3A_25 : i1
    %and3A_27 = arith.andi %ne3A_26, %ne3A_22 : i1
    %add3A = arith.addi %rem3A_20, %select_n3A_19 : i32
    %select_n3A_28 = arith.select %and3A_27, %add3A, %rem3A_20 : i32
    %c0_i32 = arith.constant 0 : i32
    %c0_i32_29 = arith.constant 0 : i32
    %c0_i32_30 = arith.constant 0 : i32
    return %c0_i32, %select_n3A, %select_n3A_28, %c0_i32_29 : i32, i32, i32, i32
  }
  func.func @transform_2(%arg0: i32) -> (i32, i32, i32) {
    %c0_i32 = arith.constant 0 : i32
    %c0_i32_0 = arith.constant 0 : i32
    %c0_i32_1 = arith.constant 0 : i32
    %c0_i32_2 = arith.constant 0 : i32
    return %c0_i32, %c0_i32_0, %c0_i32_1 : i32, i32, i32
  }
  func.func @transform_3(%arg0: i32) -> (i32, i32) {
    %c0_i32 = arith.constant 0 : i32
    %c0_i32_0 = arith.constant 0 : i32
    %c0_i32_1 = arith.constant 0 : i32
    return %c0_i32, %c0_i32_0 : i32, i32
  }
  func.func @transform_4(%arg0: i32) -> (i32, i32) {
    %c0_i32 = arith.constant 0 : i32
    %c0_i32_0 = arith.constant 0 : i32
    return %arg0, %c0_i32 : i32, i32
  }
}

module attributes {stable_mosaic.version = 14 : i64} {
  func.func @_tc_body(%arg0: i32, %arg1: memref<3x1x1000x128xbf16, #tpu.memory_space<vmem>>, %arg2: memref<3x1x1000x16xf32, #tpu.memory_space<vmem>>, %arg3: memref<3x128x128xf32, #tpu.memory_space<vmem>>, %arg4: memref<3x128xf32, #tpu.memory_space<vmem>>, %arg5: memref<1000x128xf32, #tpu.memory_space<vmem>>) attributes {dimension_semantics = [#tpu.dimension_semantics<arbitrary>], iteration_bounds = array<i64: 10>, scalar_prefetch = 0 : i64, scratch_operands = 0 : i64, tpu.core_type = #tpu.core_type<tc>, window_params = [{transform_indices = @transform_0, window_bounds = array<i64: 3, 1, 1000, 128>}, {transform_indices = @transform_1, window_bounds = array<i64: 3, 1, 1000, 16>}, {pipeline_mode = #tpu.pipeline_mode<synchronous>, transform_indices = @transform_2, window_bounds = array<i64: 3, 128, 128>}, {pipeline_mode = #tpu.pipeline_mode<synchronous>, transform_indices = @transform_3, window_bounds = array<i64: 3, 128>}, {transform_indices = @transform_4, window_bounds = array<i64: 1000, 128>}]} {
    %get3A = arith.constant 0 : index
    %get3A_0 = arith.constant 0 : index
    %get3A_1 = arith.constant 0 : index
    %get3A_2 = arith.constant 0 : index
    %get3A_3 = vector.load %arg1[%get3A, %get3A_0, %get3A_1, %get3A_2] : memref<3x1x1000x128xbf16, #tpu.memory_space<vmem>>, vector<3x1x1000x128xbf16>
    %get3A_4 = vector.shape_cast %get3A_3 : vector<3x1x1000x128xbf16> to vector<3x1000x128xbf16>
    %convert_element_type3A = arith.extf %get3A_4 : vector<3x1000x128xbf16> to vector<3x1000x128xf32>
    %get3A_5 = arith.constant 0 : index
    %get3A_6 = arith.constant 0 : index
    %get3A_7 = arith.constant 0 : index
    %get3A_8 = arith.constant 0 : index
    %get3A_9 = vector.load %arg2[%get3A_5, %get3A_6, %get3A_7, %get3A_8] : memref<3x1x1000x16xf32, #tpu.memory_space<vmem>>, vector<3x1x1000x1xf32>
    %get3A_10 = vector.shape_cast %get3A_9 : vector<3x1x1000x1xf32> to vector<3x1000xf32>
    %max3A = arith.constant 1.000000e+00 : f32
    %max3A_11 = vector.broadcast %max3A : f32 to vector<3x1000xf32>
    %max3A_12 = arith.maximumf %get3A_10, %max3A_11 : vector<3x1000xf32>
    %gt3A = arith.constant 0.000000e+00 : f32
    %gt3A_13 = vector.broadcast %gt3A : f32 to vector<3x1000xf32>
    %gt3A_14 = arith.cmpf ogt, %get3A_10, %gt3A_13 : vector<3x1000xf32>
    %convert_element_type3A_15 = arith.extui %gt3A_14 : vector<3x1000xi1> to vector<3x1000xi32>
    %convert_element_type3A_16 = arith.sitofp %convert_element_type3A_15 : vector<3x1000xi32> to vector<3x1000xf32>
    %broadcast_in_dim3A = arith.constant 0.000000e+00 : f32
    %broadcast_in_dim3A_17 = vector.broadcast %broadcast_in_dim3A : f32 to vector<1000x128xf32>
    %slice3A = vector.extract_strided_slice %convert_element_type3A {offsets = [0, 0, 0], sizes = [1, 1000, 128], strides = [1, 1, 1]} : vector<3x1000x128xf32> to vector<1x1000x128xf32>
    %squeeze3A = vector.shape_cast %slice3A : vector<1x1000x128xf32> to vector<1000x128xf32>
    %slice3A_18 = vector.extract_strided_slice %max3A_12 {offsets = [0, 0], sizes = [1, 1000], strides = [1, 1]} : vector<3x1000xf32> to vector<1x1000xf32>
    %squeeze3A_19 = vector.shape_cast %slice3A_18 : vector<1x1000xf32> to vector<1000xf32>
    %div3A = arith.constant 1.000000e+00 : f32
    %div3A_20 = vector.broadcast %div3A : f32 to vector<1000xf32>
    %div3A_21 = arith.divf %div3A_20, %squeeze3A_19 : vector<1000xf32>
    %broadcast_in_dim3A_22 = vector.shape_cast %div3A_21 : vector<1000xf32> to vector<1000x1xf32>
    %mul3A = vector.broadcast %broadcast_in_dim3A_22 : vector<1000x1xf32> to vector<1000x128xf32>
    %mul3A_23 = arith.mulf %squeeze3A, %mul3A : vector<1000x128xf32>
    %get3A_24 = arith.constant 0 : index
    %get3A_25 = arith.constant 0 : index
    %get3A_26 = arith.constant 0 : index
    %get3A_27 = vector.load %arg3[%get3A_24, %get3A_25, %get3A_26] : memref<3x128x128xf32, #tpu.memory_space<vmem>>, vector<1x128x128xf32>
    %get3A_28 = vector.shape_cast %get3A_27 : vector<1x128x128xf32> to vector<128x128xf32>
    %dot_general3A = arith.constant dense<0.000000e+00> : vector<1000x128xf32>
    %dot_general3A_29 = tpu.matmul %mul3A_23, %get3A_28, %dot_general3A {dimension_numbers = #tpu.dot_dimension_numbers<[1], [0], [0], [1], [0, 0, 1, 1], [], []>, transpose_lhs_hint = false} : vector<1000x128xf32>, vector<128x128xf32>, vector<1000x128xf32> -> vector<1000x128xf32>
    %add3A = arith.addf %broadcast_in_dim3A_17, %dot_general3A_29 : vector<1000x128xf32>
    %slice3A_30 = vector.extract_strided_slice %convert_element_type3A_16 {offsets = [0, 0], sizes = [1, 1000], strides = [1, 1]} : vector<3x1000xf32> to vector<1x1000xf32>
    %squeeze3A_31 = vector.shape_cast %slice3A_30 : vector<1x1000xf32> to vector<1000xf32>
    %broadcast_in_dim3A_32 = vector.shape_cast %squeeze3A_31 : vector<1000xf32> to vector<1000x1xf32>
    %get3A_33 = arith.constant 0 : index
    %get3A_34 = arith.constant 0 : index
    %get3A_35 = vector.load %arg4[%get3A_33, %get3A_34] : memref<3x128xf32, #tpu.memory_space<vmem>>, vector<1x128xf32>
    %get3A_36 = vector.shape_cast %get3A_35 : vector<1x128xf32> to vector<128xf32>
    %broadcast_in_dim3A_37 = vector.shape_cast %get3A_36 : vector<128xf32> to vector<1x128xf32>
    %mul3A_38 = vector.broadcast %broadcast_in_dim3A_32 : vector<1000x1xf32> to vector<1000x128xf32>
    %mul3A_39 = vector.broadcast %broadcast_in_dim3A_37 : vector<1x128xf32> to vector<1000x128xf32>
    %mul3A_40 = arith.mulf %mul3A_38, %mul3A_39 : vector<1000x128xf32>
    %add3A_41 = arith.addf %add3A, %mul3A_40 : vector<1000x128xf32>
    %slice3A_42 = vector.extract_strided_slice %convert_element_type3A {offsets = [1, 0, 0], sizes = [1, 1000, 128], strides = [1, 1, 1]} : vector<3x1000x128xf32> to vector<1x1000x128xf32>
    %squeeze3A_43 = vector.shape_cast %slice3A_42 : vector<1x1000x128xf32> to vector<1000x128xf32>
    %slice3A_44 = vector.extract_strided_slice %max3A_12 {offsets = [1, 0], sizes = [1, 1000], strides = [1, 1]} : vector<3x1000xf32> to vector<1x1000xf32>
    %squeeze3A_45 = vector.shape_cast %slice3A_44 : vector<1x1000xf32> to vector<1000xf32>
    %div3A_46 = arith.constant 1.000000e+00 : f32
    %div3A_47 = vector.broadcast %div3A_46 : f32 to vector<1000xf32>
    %div3A_48 = arith.divf %div3A_47, %squeeze3A_45 : vector<1000xf32>
    %broadcast_in_dim3A_49 = vector.shape_cast %div3A_48 : vector<1000xf32> to vector<1000x1xf32>
    %mul3A_50 = vector.broadcast %broadcast_in_dim3A_49 : vector<1000x1xf32> to vector<1000x128xf32>
    %mul3A_51 = arith.mulf %squeeze3A_43, %mul3A_50 : vector<1000x128xf32>
    %get3A_52 = arith.constant 1 : index
    %get3A_53 = arith.constant 0 : index
    %get3A_54 = arith.constant 0 : index
    %get3A_55 = vector.load %arg3[%get3A_52, %get3A_53, %get3A_54] : memref<3x128x128xf32, #tpu.memory_space<vmem>>, vector<1x128x128xf32>
    %get3A_56 = vector.shape_cast %get3A_55 : vector<1x128x128xf32> to vector<128x128xf32>
    %dot_general3A_57 = arith.constant dense<0.000000e+00> : vector<1000x128xf32>
    %dot_general3A_58 = tpu.matmul %mul3A_51, %get3A_56, %dot_general3A_57 {dimension_numbers = #tpu.dot_dimension_numbers<[1], [0], [0], [1], [0, 0, 1, 1], [], []>, transpose_lhs_hint = false} : vector<1000x128xf32>, vector<128x128xf32>, vector<1000x128xf32> -> vector<1000x128xf32>
    %add3A_59 = arith.addf %add3A_41, %dot_general3A_58 : vector<1000x128xf32>
    %slice3A_60 = vector.extract_strided_slice %convert_element_type3A_16 {offsets = [1, 0], sizes = [1, 1000], strides = [1, 1]} : vector<3x1000xf32> to vector<1x1000xf32>
    %squeeze3A_61 = vector.shape_cast %slice3A_60 : vector<1x1000xf32> to vector<1000xf32>
    %broadcast_in_dim3A_62 = vector.shape_cast %squeeze3A_61 : vector<1000xf32> to vector<1000x1xf32>
    %get3A_63 = arith.constant 1 : index
    %get3A_64 = arith.constant 0 : index
    %get3A_65 = vector.load %arg4[%get3A_63, %get3A_64] : memref<3x128xf32, #tpu.memory_space<vmem>>, vector<1x128xf32>
    %get3A_66 = vector.shape_cast %get3A_65 : vector<1x128xf32> to vector<128xf32>
    %broadcast_in_dim3A_67 = vector.shape_cast %get3A_66 : vector<128xf32> to vector<1x128xf32>
    %mul3A_68 = vector.broadcast %broadcast_in_dim3A_62 : vector<1000x1xf32> to vector<1000x128xf32>
    %mul3A_69 = vector.broadcast %broadcast_in_dim3A_67 : vector<1x128xf32> to vector<1000x128xf32>
    %mul3A_70 = arith.mulf %mul3A_68, %mul3A_69 : vector<1000x128xf32>
    %add3A_71 = arith.addf %add3A_59, %mul3A_70 : vector<1000x128xf32>
    %slice3A_72 = vector.extract_strided_slice %convert_element_type3A {offsets = [2, 0, 0], sizes = [1, 1000, 128], strides = [1, 1, 1]} : vector<3x1000x128xf32> to vector<1x1000x128xf32>
    %squeeze3A_73 = vector.shape_cast %slice3A_72 : vector<1x1000x128xf32> to vector<1000x128xf32>
    %slice3A_74 = vector.extract_strided_slice %max3A_12 {offsets = [2, 0], sizes = [1, 1000], strides = [1, 1]} : vector<3x1000xf32> to vector<1x1000xf32>
    %squeeze3A_75 = vector.shape_cast %slice3A_74 : vector<1x1000xf32> to vector<1000xf32>
    %div3A_76 = arith.constant 1.000000e+00 : f32
    %div3A_77 = vector.broadcast %div3A_76 : f32 to vector<1000xf32>
    %div3A_78 = arith.divf %div3A_77, %squeeze3A_75 : vector<1000xf32>
    %broadcast_in_dim3A_79 = vector.shape_cast %div3A_78 : vector<1000xf32> to vector<1000x1xf32>
    %mul3A_80 = vector.broadcast %broadcast_in_dim3A_79 : vector<1000x1xf32> to vector<1000x128xf32>
    %mul3A_81 = arith.mulf %squeeze3A_73, %mul3A_80 : vector<1000x128xf32>
    %get3A_82 = arith.constant 2 : index
    %get3A_83 = arith.constant 0 : index
    %get3A_84 = arith.constant 0 : index
    %get3A_85 = vector.load %arg3[%get3A_82, %get3A_83, %get3A_84] : memref<3x128x128xf32, #tpu.memory_space<vmem>>, vector<1x128x128xf32>
    %get3A_86 = vector.shape_cast %get3A_85 : vector<1x128x128xf32> to vector<128x128xf32>
    %dot_general3A_87 = arith.constant dense<0.000000e+00> : vector<1000x128xf32>
    %dot_general3A_88 = tpu.matmul %mul3A_81, %get3A_86, %dot_general3A_87 {dimension_numbers = #tpu.dot_dimension_numbers<[1], [0], [0], [1], [0, 0, 1, 1], [], []>, transpose_lhs_hint = false} : vector<1000x128xf32>, vector<128x128xf32>, vector<1000x128xf32> -> vector<1000x128xf32>
    %add3A_89 = arith.addf %add3A_71, %dot_general3A_88 : vector<1000x128xf32>
    %slice3A_90 = vector.extract_strided_slice %convert_element_type3A_16 {offsets = [2, 0], sizes = [1, 1000], strides = [1, 1]} : vector<3x1000xf32> to vector<1x1000xf32>
    %squeeze3A_91 = vector.shape_cast %slice3A_90 : vector<1x1000xf32> to vector<1000xf32>
    %broadcast_in_dim3A_92 = vector.shape_cast %squeeze3A_91 : vector<1000xf32> to vector<1000x1xf32>
    %get3A_93 = arith.constant 2 : index
    %get3A_94 = arith.constant 0 : index
    %get3A_95 = vector.load %arg4[%get3A_93, %get3A_94] : memref<3x128xf32, #tpu.memory_space<vmem>>, vector<1x128xf32>
    %get3A_96 = vector.shape_cast %get3A_95 : vector<1x128xf32> to vector<128xf32>
    %broadcast_in_dim3A_97 = vector.shape_cast %get3A_96 : vector<128xf32> to vector<1x128xf32>
    %mul3A_98 = vector.broadcast %broadcast_in_dim3A_92 : vector<1000x1xf32> to vector<1000x128xf32>
    %mul3A_99 = vector.broadcast %broadcast_in_dim3A_97 : vector<1x128xf32> to vector<1000x128xf32>
    %mul3A_100 = arith.mulf %mul3A_98, %mul3A_99 : vector<1000x128xf32>
    %add3A_101 = arith.addf %add3A_89, %mul3A_100 : vector<1000x128xf32>
    %swap3A = arith.constant 0 : index
    %swap3A_102 = arith.constant 0 : index
    %swap3A_103 = vector.load %arg5[%swap3A, %swap3A_102] : memref<1000x128xf32, #tpu.memory_space<vmem>>, vector<1000x128xf32>
    tpu.vector_store %arg5[%swap3A, %swap3A_102], %add3A_101 {strides = array<i32>} : memref<1000x128xf32, #tpu.memory_space<vmem>>, vector<1000x128xf32>,
    return
  }
  func.func @transform_0(%arg0: i32) -> (i32, i32, i32, i32) {
    %jit3A = arith.constant 5 : i32
    %div3A = arith.divsi %arg0, %jit3A : i32
    %sign3A = arith.constant 0 : i32
    %sign3A_0 = arith.cmpi sgt, %arg0, %sign3A : i32
    %sign3A_1 = arith.extui %sign3A_0 : i1 to i32
    %sign3A_2 = arith.constant 0 : i32
    %sign3A_3 = arith.cmpi slt, %arg0, %sign3A_2 : i32
    %sign3A_4 = arith.extui %sign3A_3 : i1 to i32
    %sign3A_5 = arith.subi %sign3A_1, %sign3A_4 : i32
    %sign3A_6 = arith.constant 0 : i32
    %sign3A_7 = arith.cmpi sgt, %jit3A, %sign3A_6 : i32
    %sign3A_8 = arith.extui %sign3A_7 : i1 to i32
    %sign3A_9 = arith.constant 0 : i32
    %sign3A_10 = arith.cmpi slt, %jit3A, %sign3A_9 : i32
    %sign3A_11 = arith.extui %sign3A_10 : i1 to i32
    %sign3A_12 = arith.subi %sign3A_8, %sign3A_11 : i32
    %ne3A = arith.cmpi ne, %sign3A_5, %sign3A_12 : i32
    %rem3A = arith.remsi %arg0, %jit3A : i32
    %ne3A_13 = arith.constant 0 : i32
    %ne3A_14 = arith.cmpi ne, %rem3A, %ne3A_13 : i32
    %and3A = arith.andi %ne3A, %ne3A_14 : i1
    %sub3A = arith.constant 1 : i32
    %sub3A_15 = arith.subi %div3A, %sub3A : i32
    %select_n3A = arith.select %and3A, %sub3A_15, %div3A : i32
    %jit3A_16 = arith.constant 5 : i32
    %eq3A = arith.constant 0 : i32
    %eq3A_17 = arith.cmpi eq, %jit3A_16, %eq3A : i32
    %jit3A_18 = arith.constant 1 : i32
    %select_n3A_19 = arith.select %eq3A_17, %jit3A_18, %jit3A_16 : i32
    %rem3A_20 = arith.remsi %arg0, %select_n3A_19 : i32
    %ne3A_21 = arith.constant 0 : i32
    %ne3A_22 = arith.cmpi ne, %rem3A_20, %ne3A_21 : i32
    %lt3A = arith.constant 0 : i32
    %lt3A_23 = arith.cmpi slt, %rem3A_20, %lt3A : i32
    %lt3A_24 = arith.constant 0 : i32
    %lt3A_25 = arith.cmpi slt, %select_n3A_19, %lt3A_24 : i32
    %ne3A_26 = arith.xori %lt3A_23, %lt3A_25 : i1
    %and3A_27 = arith.andi %ne3A_26, %ne3A_22 : i1
    %add3A = arith.addi %rem3A_20, %select_n3A_19 : i32
    %select_n3A_28 = arith.select %and3A_27, %add3A, %rem3A_20 : i32
    %c0_i32 = arith.constant 0 : i32
    %c0_i32_29 = arith.constant 0 : i32
    %c0_i32_30 = arith.constant 0 : i32
    return %c0_i32, %select_n3A, %select_n3A_28, %c0_i32_29 : i32, i32, i32, i32
  }
  func.func @transform_1(%arg0: i32) -> (i32, i32, i32, i32) {
    %jit3A = arith.constant 5 : i32
    %div3A = arith.divsi %arg0, %jit3A : i32
    %sign3A = arith.constant 0 : i32
    %sign3A_0 = arith.cmpi sgt, %arg0, %sign3A : i32
    %sign3A_1 = arith.extui %sign3A_0 : i1 to i32
    %sign3A_2 = arith.constant 0 : i32
    %sign3A_3 = arith.cmpi slt, %arg0, %sign3A_2 : i32
    %sign3A_4 = arith.extui %sign3A_3 : i1 to i32
    %sign3A_5 = arith.subi %sign3A_1, %sign3A_4 : i32
    %sign3A_6 = arith.constant 0 : i32
    %sign3A_7 = arith.cmpi sgt, %jit3A, %sign3A_6 : i32
    %sign3A_8 = arith.extui %sign3A_7 : i1 to i32
    %sign3A_9 = arith.constant 0 : i32
    %sign3A_10 = arith.cmpi slt, %jit3A, %sign3A_9 : i32
    %sign3A_11 = arith.extui %sign3A_10 : i1 to i32
    %sign3A_12 = arith.subi %sign3A_8, %sign3A_11 : i32
    %ne3A = arith.cmpi ne, %sign3A_5, %sign3A_12 : i32
    %rem3A = arith.remsi %arg0, %jit3A : i32
    %ne3A_13 = arith.constant 0 : i32
    %ne3A_14 = arith.cmpi ne, %rem3A, %ne3A_13 : i32
    %and3A = arith.andi %ne3A, %ne3A_14 : i1
    %sub3A = arith.constant 1 : i32
    %sub3A_15 = arith.subi %div3A, %sub3A : i32
    %select_n3A = arith.select %and3A, %sub3A_15, %div3A : i32
    %jit3A_16 = arith.constant 5 : i32
    %eq3A = arith.constant 0 : i32
    %eq3A_17 = arith.cmpi eq, %jit3A_16, %eq3A : i32
    %jit3A_18 = arith.constant 1 : i32
    %select_n3A_19 = arith.select %eq3A_17, %jit3A_18, %jit3A_16 : i32
    %rem3A_20 = arith.remsi %arg0, %select_n3A_19 : i32
    %ne3A_21 = arith.constant 0 : i32
    %ne3A_22 = arith.cmpi ne, %rem3A_20, %ne3A_21 : i32
    %lt3A = arith.constant 0 : i32
    %lt3A_23 = arith.cmpi slt, %rem3A_20, %lt3A : i32
    %lt3A_24 = arith.constant 0 : i32
    %lt3A_25 = arith.cmpi slt, %select_n3A_19, %lt3A_24 : i32
    %ne3A_26 = arith.xori %lt3A_23, %lt3A_25 : i1
    %and3A_27 = arith.andi %ne3A_26, %ne3A_22 : i1
    %add3A = arith.addi %rem3A_20, %select_n3A_19 : i32
    %select_n3A_28 = arith.select %and3A_27, %add3A, %rem3A_20 : i32
    %c0_i32 = arith.constant 0 : i32
    %c0_i32_29 = arith.constant 0 : i32
    %c0_i32_30 = arith.constant 0 : i32
    return %c0_i32, %select_n3A, %select_n3A_28, %c0_i32_29 : i32, i32, i32, i32
  }
  func.func @transform_2(%arg0: i32) -> (i32, i32, i32) {
    %c0_i32 = arith.constant 0 : i32
    %c0_i32_0 = arith.constant 0 : i32
    %c0_i32_1 = arith.constant 0 : i32
    %c0_i32_2 = arith.constant 0 : i32
    return %c0_i32, %c0_i32_0, %c0_i32_1 : i32, i32, i32
  }
  func.func @transform_3(%arg0: i32) -> (i32, i32) {
    %c0_i32 = arith.constant 0 : i32
    %c0_i32_0 = arith.constant 0 : i32
    %c0_i32_1 = arith.constant 0 : i32
    return %c0_i32, %c0_i32_0 : i32, i32
  }
  func.func @transform_4(%arg0: i32) -> (i32, i32) {
    %c0_i32 = arith.constant 0 : i32
    %c0_i32_0 = arith.constant 0 : i32
    return %arg0, %c0_i32 : i32, i32
  }
}

</mosaic_0001>

<sc_bundles>
// kernel: kernel.6.cloned.1.call-start
scs
__scs_entry_jumppad:
0x0: {  	(pc) =	sbr.rel $0x88, $3  }
0x1: {  	(tag) =	ssettag $0x0;
	lr =	simm.s32 $0x1  }
0x2: {  	[smem:$0x3F91] =	sst lr;
	_ =	strace $0xD0000000  }
0x3: {  	_ = 	snop  }
0x4: {  	_ = 	snop  }
0x5: {  	_ = 	snop  }
0x6: {  	_ = 	snop  }
0x7: {  	_ = 	snop  }
__scs_overlays_trampoline_lowered:
0x8: {  	[smem:$0x3FA0] =	sst s0  }
0x9: {  	[smem:$0x3FA1] =	sst s1  }
0xa: {  	[smem:$0x3FA2] =	sst s2  }
0xb: {  	[smem:$0x3FA3] =	sst s3  }
0xc: {  	[smem:$0x3FA4] =	sst s4  }
0xd: {  	[smem:$0x3FA5] =	sst s5  }
0xe: {  	[smem:$0x3FA6] =	sst s6  }
0xf: {  	[smem:$0x3FA7] =	sst s7  }
0x10: {  	[smem:$0x3FA8] =	sst s8  }
0x11: {  	[smem:$0x3FA9] =	sst s9;
	s0 =	simm.s32 @!p0 $0x0  }
0x12: {  	s1 =	sld [smem:$0x3F8F];
	s0 =	simm.s32 @p0 $0x1  }
0x13: {  	[smem:$0x3FAA] =	sst s0;
	s0 =	simm.s32 @!p1 $0x0  }
0x14: {  	s2 =	sld [smem:$0x3F8E];
	s0 =	simm.s32 @p1 $0x1  }
0x15: {  	[smem:$0x3FAB] =	sst s0;
	s0 =	simm.s32 @!p2 $0x0  }
0x16: {  	s3 =	sld [smem:$0x3FDB];
	s0 =	simm.s32 @p2 $0x1  }
0x17: {  	s4 =	simm.s32 $0x1BF5;
	[smem:$0x3FAD] =	sst s0  }
0x18: {  	s0 =	sld [smem:$0x3F90];
	_ =	swait.ge [sflag:s4], $0x0  }
0x19: {  	s7 =	sld [smem:$0x3F91]  }
0x1a: {  	s8 =	sadd.s32 $0xFFFFE003, lr  }
0x1b: {  	s9 =	sadd.s32 $0xFFFFFEF7, lr;
	s5 =	simm.s32 $0xFFFFFFFF;
	p2 =	slt.u32 s8, $0xFFFFF086  }
0x1c: {  	p1 =	slt.u32 s9, $0xF7A;
	s5 =	simm.s32 @!p2 $0x0  }
0x1d: {  	s5 =	simm.s32 @p1 $0x1;
	p0 =	seq.s32 s7, s2  }
0x1e: {  	s7 =	smul.u32 @!p0 $0xF7A, s2;
	p2 =	seq.s32 @!p0 s5, $0x0  }
0x1f: {  	s9 =	smul.u32 $0xF7A, s1;
	s8 =	simm.s32 @!p0 $0x1BF5;
	p2 =	por !p2, p0  }
0x20: {  	[sflag:s8] =	ssyncset.s32 @!p0 $0xFFFFF086;
	s6 =	sadd.s32 @!p0 s3, s7;
	s7 =	simm.s32 @!p0 $0x108  }
0x21: {  	s3 =	sadd.s32 s3, s9;
	s6 =	sadd.s32 @!p0 $0x88, s6;
	s7 =	simm.s32 @p2 $0x1082  }
0x22: {  	[simem:s7], [sflag:s8] =	dma.local @!p0 [hbm:s6], $0xF7A  }
0x23: {  	s9 =	sor.u32 $0xD0000000, s2;
	s6 =	simm.s32 $0x108;
	_ =	swait.ge @!p0 [sflag:s8], $0x0  }
0x24: {  	s3 =	sadd.s32 $0x88, s3;
	s6 =	simm.s32 @!p1 $0x1082;
	[sflag:s4] =	ssyncset.s32 $0xFFFFF086  }
0x25: {  	[simem:s6], [sflag:s4] =	dma.local [hbm:s3], $0xF7A  }
0x26: {  	[smem:$0x3F91] =	sst s1;
	(tag) =	ssettag s2;
	_ =	strace s9  }
0x27: {  	s1 =	sld [smem:$0x3FA1]  }
0x28: {  	s2 =	sld [smem:$0x3FA2]  }
0x29: {  	s4 =	sld [smem:$0x3FA4]  }
0x2a: {  	p0 =	seq.s32 s5, $0x0;
	s5 =	sld [smem:$0x3FA5]  }
0x2b: {  	s6 =	sld [smem:$0x3FA6]  }
0x2c: {  	s7 =	sld [smem:$0x3FA7]  }
0x2d: {  	s3 =	simm.s32 $0x108;
	s8 =	sld [smem:$0x3FA8]  }
0x2e: {  	s3 =	simm.s32 @!p0 $0x1082;
	s9 =	sld [smem:$0x3FA9]  }
0x2f: {  	lr =	sadd.s32 s0, s3;
	s0 =	sld [smem:$0x3FA0]  }
0x30: {  	s3 =	sld [smem:$0x3FA3]  }
0x31: {  	[smem:$0x3FAC] =	sst s10  }
0x32: {  	s10 =	sld [smem:$0x3FAA];
	_ =	sdelay $0x3  }
0x33: {  	p0 =	seq.s32 s10, $0x1;
	s10 =	sld [smem:$0x3FAC];
	_ =	sdelay $0x3  }
0x34: {  	[smem:$0x3FAC] =	sst s10  }
0x35: {  	s10 =	sld [smem:$0x3FAB];
	_ =	sdelay $0x3  }
0x36: {  	p1 =	seq.s32 s10, $0x1;
	s10 =	sld [smem:$0x3FAC];
	_ =	sdelay $0x3  }
0x37: {  	[smem:$0x3FAC] =	sst s10  }
0x38: {  	s10 =	sld [smem:$0x3FAD]  }
0x39: {  	_ = 	snop;
	(pc) =	sbr.ind lr, $3  }
0x3a: {  	_ = 	snop  }
0x3b: {  	_ = 	snop  }
0x3c: {  	p2 =	seq.s32 s10, $0x1;
	s10 =	sld [smem:$0x3FAC]  }
0x3d: {  	_ =	shalt  }
0x3e: {  	_ =	shalt  }
0x3f: {  	_ =	shalt  }
0x40: {  	_ =	shalt  }
0x41: {  	_ =	shalt  }
0x42: {  	_ =	shalt  }
0x43: {  	_ =	shalt  }
0x44: {  	_ =	shalt  }
0x45: {  	_ =	shalt  }
0x46: {  	_ =	shalt  }
0x47: {  	_ =	shalt  }
0x48: {  	_ =	shalt  }
0x49: {  	_ =	shalt  }
0x4a: {  	_ =	shalt  }
0x4b: {  	_ =	shalt  }
0x4c: {  	_ =	shalt  }
0x4d: {  	_ =	shalt  }
0x4e: {  	_ =	shalt  }
0x4f: {  	_ =	shalt  }
0x50: {  	_ =	shalt  }
0x51: {  	_ =	shalt  }
0x52: {  	_ =	shalt  }
0x53: {  	_ =	shalt  }
0x54: {  	_ =	shalt  }
0x55: {  	_ =	shalt  }
0x56: {  	_ =	shalt  }
0x57: {  	_ =	shalt  }
0x58: {  	_ =	shalt  }
0x59: {  	_ =	shalt  }
0x5a: {  	_ =	shalt  }
0x5b: {  	_ =	shalt  }
0x5c: {  	_ =	shalt  }
0x5d: {  	_ =	shalt  }
0x5e: {  	_ =	shalt  }
0x5f: {  	_ =	shalt  }
0x60: {  	_ =	shalt  }
0x61: {  	_ =	shalt  }
0x62: {  	_ =	shalt  }
0x63: {  	_ =	shalt  }
0x64: {  	_ =	shalt  }
0x65: {  	_ =	shalt  }
0x66: {  	_ =	shalt  }
0x67: {  	_ =	shalt  }
0x68: {  	_ =	shalt  }
0x69: {  	_ =	shalt  }
0x6a: {  	_ =	shalt  }
0x6b: {  	_ =	shalt  }
0x6c: {  	_ =	shalt  }
0x6d: {  	_ =	shalt  }
0x6e: {  	_ =	shalt  }
0x6f: {  	_ =	shalt  }
0x70: {  	_ =	shalt  }
0x71: {  	_ =	shalt  }
0x72: {  	_ =	shalt  }
0x73: {  	_ =	shalt  }
0x74: {  	_ =	shalt  }
0x75: {  	_ =	shalt  }
0x76: {  	_ =	shalt  }
0x77: {  	_ =	shalt  }
0x78: {  	_ =	shalt  }
0x79: {  	_ =	shalt  }
0x7a: {  	_ =	shalt  }
0x7b: {  	_ =	shalt  }
0x7c: {  	_ =	shalt  }
0x7d: {  	_ =	shalt  }
0x7e: {  	_ =	shalt  }
0x7f: {  	_ =	shalt  }
0x80: {  	_ =	shalt  }
0x81: {  	_ =	shalt  }
0x82: {  	_ =	shalt  }
0x83: {  	_ =	shalt  }
0x84: {  	_ =	shalt  }
0x85: {  	_ =	shalt  }
0x86: {  	_ =	shalt  }
0x87: {  	_ =	shalt  }
.Lfunc_end0:
.L_simem_size_0:
called_computation_lowered:
.L_overlay_start_0:
0x88: {  	s2 =	sld [smem:$0x3FD9]  }
0x89: {  	s3 =	sld [smem:$0x3FFE];
	_ =	sdelay $0x1  }
0x8a: {  	s1 =	srdreg.scid  }
0x8b: {  	s0 =	sand.u32 $0x1, s1  }
0x8c: {  	s17 =	sshll.u32 s0, $0xA;
	s2 =	sadd.s32 s3, s2  }
0x8d: {  	s2 =	sadd.s32 s2, s17  }
0x8e: {  	[smem:$0x3FB8] =	sst s2  }
0x8f: {  	_ = 	snop  }
0x90: {  	s2 =	sld [smem:$0x3FD0];
	(tm) =	ssettm $0x1  }
0x91: {  	s18 =	sld [smem:$0x3FFB];
	_ =	sdelay $0x3  }
0x92: {  	_ =	strace s18  }
0x93: {  	s3 =	sld [smem:$0x3FFC];
	_ =	sdelay $0x3  }
0x94: {  	_ =	strace s3  }
0x95: {  	s3 =	sld [smem:$0x3FFD];
	_ =	sdelay $0x3  }
0x96: {  	_ =	strace s3  }
0x97: {  	_ =	strace $0x8FFFFFFF  }
0x98: {  	s19 =	sld [smem:$0x3FDB];
	_ =	sdelay $0x1  }
0x99: {  	s4 =	simm.s32 $_scs_section_size  }
0x9a: {  	s5 =	simm.s32 $_size__tile_overlayer_lowered;
	s6 =	simm.s32 $_tile_overlayer_lowered  }
0x9b: {  	s22 =	simm.s32 $0x1BFF;
	s21 =	sshll.u32 s6, $0x1;
	s3 =	sadd.s32 s4, s19  }
0x9c: {  	s7 =	simm.s32 $0x0;
	s20 =	sshll.u32 s5, $0x1;
	s5 =	sadd.s32 s21, s3  }
0x9d: {  	[timem:s7], [sflag:s22] =	dma.local [hbm:s5], s20  }
0x9e: {  	_ =	swait.ge [sflag:s22], s20  }
0x9f: {  	s4 =	ssub.s32 $0x0, s20;
	[sflag:s22] =	ssyncset.done $0x0  }
0xa0: {  	[sflag:s22] =	ssyncadd.s32 s4;
	_ =	sdelay $0x1  }
0xa1: {  	s23 =	simm.s32 $0x1B8B  }
0xa2: {  	_ =	swait.ge [sflag:s23], $0x1  }
0xa3: {  	[sflag:s23] =	ssyncset.done $0x0  }
0xa4: {  	s25 =	simm.s32 $0x1B8E;
	s24 =	sld [smem:$0x3FFE];
	[sflag:s23] =	ssyncadd.s32 $0xFFFFFFFF  }
0xa5: {  	s26 =	simm.s32 $execute0_lowered;
	[smem:$0x3FD2] =	sst s25  }
0xa6: {  	s5 =	sshll.u32 s26, $0x1;
	_ =	strace $0x80000046;
	[dreg:$0x1] =	wrdreg $0xFFFFFFFF  }
0xa7: {  	s28 =	simm.s32 $_size_execute0_lowered;
	s3 =	sadd.s32 s3, s5;
	[dreg:$0x0] =	wrdreg $0x0  }
0xa8: {  	s5 =	sshll.u32 s28, $0x1;
	[dreg:$0x2] =	wrdreg s3  }
0xa9: {  	[dreg:$0x3] =	wrdreg s5  }
0xaa: {  	[dreg:$0x4] =	wrdreg $0xC0  }
0xab: {  	_ =	task [dreg:s7], $0x5FFFF  }
0xac: {  	[dreg:$0x1] =	wrdreg $0xFFFFFFFF  }
0xad: {  	[dreg:$0x0] =	wrdreg $0x60  }
0xae: {  	[dreg:$0x2] =	wrdreg s24  }
0xaf: {  	[dreg:$0x3] =	wrdreg s2  }
0xb0: {  	[dreg:$0x4] =	wrdreg $0xC0000  }
0xb1: {  	[dreg:$0x5] =	wrdreg $0x10E280  }
0xb2: {  	[dreg:$0x6] =	wrdreg $0x9  }
0xb3: {  	_ =	task.clear_ibuf [dreg:s7], $0x7FFFF;
	_ =	strace $0x90000046  }
0xb4: {  	s29 =	simm.s32 $0x9;
	_ =	strace $0x80000048  }
0xb5: {  	_ =	swait.ge [sflag:s29], $0x1  }
0xb6: {  	[sflag:s29] =	ssyncadd.s32 $0xFFFFFFFF  }
0xb7: {  	_ =	strace $0x90000048  }
0xb8: {  	_ =	sfence  }
0xb9: {  	s30 =	sld [smem:$0x0];
	_ =	sdelay $0x2  }
0xba: {  	s31 =	sshll.u32 s1, $0xD;
	s1 =	sshrl.u32 s1, $0x2  }
0xbb: {  	s3 =	sand.u32 $0x4000, s31;
	s1 =	sadd.s32 s1, s30  }
0xbc: {  	s0 =	sor.u32 s3, s0;
	s1 =	sshll.u32 s1, $0x11  }
0xbd: {  	s0 =	sor.u32 s1, s0  }
0xbe: {  	s0 =	sadd.s32 $0x8F2B, s0  }
0xbf: {  	[sflag:s0] =	ssyncadd.remote.s32 $0x1  }
0xc0: {  	_ =	sfence.sel $0xFFFF  }
0xc1: {  	[dreg:$0x0] =	wrdreg $0xFFFFFFFF;
	(pc) =	sbr.abs _section_cstart, $3  }
0xc2: {  	[dreg:$0x1] =	wrdreg $0xFFFFFFFF  }
0xc3: {  	_ =	task.clear_ibuf [dreg:s7], $0x2FFFF;
	_ =	strace $0x9FFFFFFF  }
0xc4: {  	(tm) =	ssettm $0x7FFFFFFF  }
0xc5: {  	_ =	shalt  }
tec
execute0_lowered:
.L_overlay_start_1:
0x0: {  	(tag) =	ssettag $0x1  }
0x1: {  	s0 =	rddreg [dreg:$0x0]  }
0x2: {  	s2 =	rddreg [dreg:$0x2]  }
0x3: {  	s3 =	rddreg [dreg:$0x3];
	s1 =	simm.s32 $0x0;
	s13 =	srdreg.scid  }
0x4: {  	s10 =	stileid.u32;
	s9 =	simm.s32 $0x9000;
	[smem:$0x7FF] =	sst s1  }
0x5: {  	s5 =	sadd.s32 $0x3A00, s0;
	s11 =	sadd.s32 $0x17400, s0;
	s12 =	sadd.s32 $0x26800, s0  }
0x6: {  	s4 =	sadd.s32 $0x26400, s0;
	s14 =	sadd.s32 $0x26A00, s0;
	s1 =	sand.u32 $0x1, s13  }
0x7: {  	s17 =	sshll.u32 s10, $0x7;
	_ =	strace $0x80000047;
	[dreg:$0x5] =	wrdreg s11  }
0x8: {  	s19 =	sshll.u32 s10, $0xE;
	s20 =	sshll.u32 s10, $0xD;
	[dreg:$0x6] =	wrdreg s12  }
0x9: {  	s25 =	sshll.u32 s10, $0xB;
	s13 =	simm.s32 $0x1;
	[dreg:$0x7] =	wrdreg s4  }
0xa: {  	[dreg:$0x8] =	wrdreg s14;
	s11 =	sadd.s32 $0x26C00, s0;
	s6 =	smul.u32 $0x3, s1  }
0xb: {  	s12 =	sadd.s32 $0x61600, s0;
	s15 =	ssub.s32 $0x2, s1;
	s18 =	smul.u32 $0x9C400, s1  }
0xc: {  	s1 =	smul.u32 $0x13880, s1;
	s21 =	sor.u32 $0x800, s17;
	[dreg:$0xd] =	wrdreg s19  }
0xd: {  	s4 =	sor.u32 $0x1000, s17;
	s24 =	sshrl.u32 s19, $0x1;
	[dreg:$0x14] =	wrdreg s25  }
0xe: {  	s30 =	sadd.s32 s25, s3;
	s14 =	simm.s32 $0x2;
	s17 =	simm.s32 $0x3  }
0xf: {  	s19 =	simm.s32 $0x4F00;
	s16 =	sshrl.u32 s15, $0x1;
	[dreg:$0x9] =	wrdreg s6  }
0x10: {  	s22 =	sshll.u32 s21, $0x6;
	s4 =	smin.u32 s4, $0x1308;
	[dreg:$0xa] =	wrdreg s18  }
0x11: {  	s7 =	sshll.u32 s21, $0x4;
	s0 =	ssub.s32 s15, s16;
	[dreg:$0xb] =	wrdreg s1  }
0x12: {  	s23 =	sshll.u32 s4, $0x6;
	s8 =	sshll.u32 s4, $0x4;
	s1 =	sshll.u32 s21, $0x7  }
0x13: {  	s4 =	sshll.u32 s4, $0x7;
	s28 =	smov.u32 s7;
	s31 =	sadd.s32 s7, s3  }
0x14: {  	s7 =	simm.s32 $0x9800;
	s16 =	simm.s32 $0xB800;
	s6 =	simm.s32 $0x7000  }
0x15: {  	s15 =	simm.s32 $0x5;
	s18 =	simm.s32 $0x4;
	[dreg:$0x11] =	wrdreg s1  }
0x16: {  	s0 =	smax.u32 s0, $0x1;
	s1 =	sshrl.u32 s1, $0x1;
	[dreg:$0x12] =	wrdreg s4  }
0x17: {  	s4 =	sshrl.u32 s4, $0x1;
	s29 =	smov.u32 s8;
	[dreg:$0xc] =	wrdreg s0  }
0x18: {  	s0 =	sadd.s32 s20, s2;
	s1 =	sadd.s32 s1, s2;
	s4 =	sadd.s32 s4, s2  }
0x19: {  	s20 =	simm.s32 $0x4F80;
	[dreg:$0xe] =	wrdreg s0;
	s0 =	sadd.s32 s22, s2  }
0x1a: {  	s1 =	sshrl.u32 s1, $0x3;
	s26 =	sshrl.u32 s4, $0x3;
	[dreg:$0xf] =	wrdreg s0  }
0x1b: {  	s4 =	simm.s32 $0x5000;
	s0 =	sadd.s32 s23, s2;
	[dreg:$0x15] =	wrdreg s1  }
0x1c: {  	s22 =	simm.s32 $0x0;
	[dreg:$0x10] =	wrdreg s0;
	s0 =	sadd.s32 s24, s2  }
0x1d: {  	[dreg:$0x16] =	wrdreg s26;
	s1 =	simm.s32 $0x80;
	s0 =	sshrl.u32 s0, $0x3  }
0x1e: {  	[dreg:$0x13] =	wrdreg s0;
	s0 =	sadd.s32 s8, s3;
	s8 =	simm.s32 $0x6  }
.LBB2_1:
0x1f: {  	[dreg:$0x17] =	wrdreg s22  }
0x20: {  	s21 =	simm.s32 $0x0;
	s24 =	rddreg [dreg:$0x7]  }
0x21: {  	[tilespmem:s7], [sflag:$0x6] =	stream.linear.gather [hbm4b:s24+s21], $0x2000, $0x38;
	[tilespmem:$0x121B8] =	vst v63  }
0x22: {  	_ =	swait.ge [sflag:s8], $0x2000  }
0x23: {  	[sflag:s8] =	ssyncset.done $0x0  }
0x24: {  	s25 =	rddreg [dreg:$0x6];
	[sflag:s8] =	ssyncadd.s32 $0xFFFFE000  }
0x25: {  	[tilespmem:s9], [sflag:$0x6] =	stream.linear.gather [hbm4b:s25+s21], $0x800, $0x38;
	[tilespmem:$0x121B8] =	vst v63  }
0x26: {  	_ =	swait.ge [sflag:s8], $0x800  }
0x27: {  	[sflag:s8] =	ssyncset.done $0x0  }
0x28: {  	s26 =	rddreg [dreg:$0x8];
	[sflag:s8] =	ssyncadd.s32 $0xFFFFF800  }
0x29: {  	[tilespmem:s16], [sflag:$0x6] =	stream.linear.gather [hbm4b:s26+s21], $0x800, $0x38;
	[tilespmem:$0x121B8] =	vst v63  }
0x2a: {  	_ =	swait.ge [sflag:s8], $0x800  }
0x2b: {  	[sflag:s8] =	ssyncset.done $0x0  }
0x2c: {  	s21 =	simm.s32 $0x0;
	[sflag:s8] =	ssyncadd.s32 $0xFFFFF800  }
.LBB2_2:
0x2d: {  	s22 =	rddreg [dreg:$0xe]  }
0x2e: {  	[spmem:s22] =	stream.linear.scatter [tilespmem:s7], [sflag:$0x6], $0x2000, $0x38;
	[tilespmem:$0x121B8] =	vst v63  }
0x2f: {  	_ =	swait.ge [sflag:s8], $0x2000  }
0x30: {  	[sflag:s8] =	ssyncset.done $0x0  }
0x31: {  	[sflag:s8] =	ssyncadd.s32 $0xFFFFE000  }
0x32: {  	[spmem:s30] =	stream.linear.scatter [tilespmem:s16], [sflag:$0x6], $0x800, $0x38;
	[tilespmem:$0x121B8] =	vst v63  }
0x33: {  	_ =	swait.ge [sflag:s8], $0x800  }
0x34: {  	[sflag:s8] =	ssyncset.done $0x0  }
0x35: {  	s26 =	rddreg [dreg:$0xf];
	[sflag:s8] =	ssyncadd.s32 $0xFFFFF800  }
0x36: {  	[spmem:s26] =	stream.linear.scatter [tilespmem:s7], [sflag:$0x6], $0x2000, $0x38;
	[tilespmem:$0x121B8] =	vst v63  }
0x37: {  	_ =	swait.ge [sflag:s8], $0x2000  }
0x38: {  	[sflag:s8] =	ssyncset.done $0x0  }
0x39: {  	[sflag:s8] =	ssyncadd.s32 $0xFFFFE000  }
0x3a: {  	[spmem:s31] =	stream.linear.scatter [tilespmem:s16], [sflag:$0x6], $0x800, $0x38;
	[tilespmem:$0x121B8] =	vst v63  }
0x3b: {  	_ =	swait.ge [sflag:s8], $0x800  }
0x3c: {  	[sflag:s8] =	ssyncset.done $0x0  }
0x3d: {  	s23 =	rddreg [dreg:$0x10];
	[sflag:s8] =	ssyncadd.s32 $0xFFFFF800  }
0x3e: {  	[spmem:s23] =	stream.linear.scatter [tilespmem:s7], [sflag:$0x6], $0x2000, $0x38;
	[tilespmem:$0x121B8] =	vst v63  }
0x3f: {  	_ =	swait.ge [sflag:s8], $0x2000  }
0x40: {  	[sflag:s8] =	ssyncset.done $0x0  }
0x41: {  	[sflag:s8] =	ssyncadd.s32 $0xFFFFE000  }
0x42: {  	[spmem:s0] =	stream.linear.scatter [tilespmem:s16], [sflag:$0x6], $0x800, $0x38;
	[tilespmem:$0x121B8] =	vst v63  }
0x43: {  	_ =	swait.ge [sflag:s8], $0x800  }
0x44: {  	s24 =	sshll.u32 s21, $0x4;
	[sflag:s8] =	ssyncset.done $0x0  }
0x45: {  	s22 =	sor.u32 s10, s24;
	[sflag:s8] =	ssyncadd.s32 $0xFFFFF800  }
0x46: {  	s22 =	smul.u32 $0x500, s22;
	[bflag:$0x0] =	sbarrier.arrive $0xFFFF  }
0x47: {  	s23 =	rddreg [dreg:$0x5]  }
0x48: {  	s25 =	rddreg [dreg:$0x9];
	s22 =	sadd.s32 s23, s22;
	s23 =	simm.s32 $0x0  }
0x49: {  	[tilespmem:s23], [sflag:$0x6] =	stream.linear.gather [hbm4b:s22+s23], $0x2800, $0x38;
	[tilespmem:$0x121B8] =	vst v63  }
0x4a: {  	s22 =	sadd.s32 s25, s21  }
0x4b: {  	s22 =	sshll.u32 s22, $0x4;
	_ =	swait.ge [sflag:s8], $0x2800  }
0x4c: {  	s22 =	sor.u32 s10, s22;
	[sflag:s8] =	ssyncset.done $0x0  }
0x4d: {  	s22 =	smul.u32 $0x500, s22;
	[sflag:s8] =	ssyncadd.s32 $0xFFFFD800  }
0x4e: {  	s24 =	rddreg [dreg:$0x1]  }
0x4f: {  	s26 =	simm.s32 $0x2800;
	s22 =	sadd.s32 s24, s22  }
0x50: {  	[tilespmem:s26], [sflag:$0x6] =	stream.linear.gather [hbm4b:s22+s23], $0x2800, $0x38;
	[tilespmem:$0x121B8] =	vst v63  }
0x51: {  	_ =	swait.ge [sflag:s8], $0x2800  }
0x52: {  	[sflag:s8] =	ssyncset.done $0x0  }
0x53: {  	[sflag:s8] =	ssyncadd.s32 $0xFFFFD800  }
0x54: {  	[tilespmem:s4], [sflag:$0x1] =	stream.indirect.gather [hbm4b:s5+s1], $0x40, s23, s1, $0xb8;
	[tilespmem:$0x121B8] =	vst v63  }
0x55: {  	_ = 	snop  }
0x56: {  	[tilespmem:s6], [sflag:$0x2] =	stream.indirect.gather [hbm4b:s5+s1], $0x40, s1, s1, $0xb8;
	[tilespmem:$0x121B8] =	vst v63  }
0x57: {  	_ =	swait.ge [sflag:s13], $0x2000  }
0x58: {  	[sflag:s13] =	ssyncset.done $0x0  }
0x59: {  	s24 =	simm.s32 $0x2800;
	[sflag:s13] =	ssyncadd.s32 $0xFFFFE000  }
0x5a: {  	[spmem:s2] =	stream.indirect.scatter.add.bf16 [tilespmem:s4], [sflag:$0x3], $0x40, s24, s1, $0xb8;
	[tilespmem:$0x121B8] =	vst v63  }
0x5b: {  	_ = 	snop  }
0x5c: {  	[spmem:s3] =	stream.indirect.scatter.add.f32 [tilespmem:s9], [sflag:$0x5], $0x10, s24, s1, $0xb8;
	[tilespmem:$0x121B8] =	vst v63  }
0x5d: {  	_ =	swait.ge [sflag:s14], $0x2000  }
0x5e: {  	[sflag:s14] =	ssyncset.done $0x0  }
0x5f: {  	s25 =	simm.s32 $0x2880;
	[sflag:s14] =	ssyncadd.s32 $0xFFFFE000  }
0x60: {  	[spmem:s2] =	stream.indirect.scatter.add.bf16 [tilespmem:s6], [sflag:$0x4], $0x40, s25, s1, $0xb8;
	[tilespmem:$0x121B8] =	vst v63  }
0x61: {  	_ =	swait.ge [sflag:s15], $0x800  }
0x62: {  	[sflag:s15] =	ssyncset.done $0x0  }
0x63: {  	[sflag:s15] =	ssyncadd.s32 $0xFFFFF800  }
0x64: {  	[spmem:s3] =	stream.indirect.scatter.add.f32 [tilespmem:s9], [sflag:$0x5], $0x10, s25, s1, $0xb8;
	[tilespmem:$0x121B8] =	vst v63  }
0x65: {  	_ =	swait.ge [sflag:s17], $0x2000  }
0x66: {  	[sflag:s17] =	ssyncset.done $0x0  }
0x67: {  	s26 =	simm.s32 $0x100;
	[sflag:s17] =	ssyncadd.s32 $0xFFFFE000  }
0x68: {  	[tilespmem:s4], [sflag:$0x1] =	stream.indirect.gather [hbm4b:s5+s1], $0x40, s26, s1, $0xb8;
	[tilespmem:$0x121B8] =	vst v63  }
0x69: {  	_ =	swait.ge [sflag:s18], $0x2000  }
0x6a: {  	[sflag:s18] =	ssyncset.done $0x0  }
0x6b: {  	[sflag:s18] =	ssyncadd.s32 $0xFFFFE000  }
0x6c: {  	_ =	swait.ge [sflag:s15], $0x800  }
0x6d: {  	[sflag:s15] =	ssyncset.done $0x0  }
0x6e: {  	s22 =	simm.s32 $0x400;
	s23 =	simm.s32 $0x180;
	[sflag:s15] =	ssyncadd.s32 $0xFFFFF800  }
.LBB2_3:
0x6f: {  	[tilespmem:s6], [sflag:$0x2] =	stream.indirect.gather [hbm4b:s5+s1], $0x40, s23, s1, $0xb8;
	[tilespmem:$0x121B8] =	vst v63  }
0x70: {  	s23 =	smov.u32 s22  }
0x71: {  	p0 =	sne.s32 s22, $0x9800;
	s22 =	sadd.s32 $0x400, s22;
	_ =	swait.ge [sflag:s13], $0x2000  }
0x72: {  	s23 =	sshra.s32 s23, $0x2;
	[sflag:s13] =	ssyncset.done $0x0  }
0x73: {  	s24 =	sadd.s32 $0x2800, s23;
	[sflag:s13] =	ssyncadd.s32 $0xFFFFE000  }
0x74: {  	[spmem:s2] =	stream.indirect.scatter.add.bf16 [tilespmem:s4], [sflag:$0x3], $0x40, s24, s1, $0xb8;
	[tilespmem:$0x121B8] =	vst v63  }
0x75: {  	_ = 	snop  }
0x76: {  	[spmem:s3] =	stream.indirect.scatter.add.f32 [tilespmem:s9], [sflag:$0x5], $0x10, s24, s1, $0xb8;
	[tilespmem:$0x121B8] =	vst v63  }
0x77: {  	_ =	swait.ge [sflag:s14], $0x2000  }
0x78: {  	[sflag:s14] =	ssyncset.done $0x0  }
0x79: {  	s24 =	sadd.s32 $0x2880, s23;
	[sflag:s14] =	ssyncadd.s32 $0xFFFFE000  }
0x7a: {  	[spmem:s2] =	stream.indirect.scatter.add.bf16 [tilespmem:s6], [sflag:$0x4], $0x40, s24, s1, $0xb8;
	[tilespmem:$0x121B8] =	vst v63  }
0x7b: {  	_ =	swait.ge [sflag:s15], $0x800  }
0x7c: {  	[sflag:s15] =	ssyncset.done $0x0  }
0x7d: {  	[sflag:s15] =	ssyncadd.s32 $0xFFFFF800  }
0x7e: {  	[spmem:s3] =	stream.indirect.scatter.add.f32 [tilespmem:s9], [sflag:$0x5], $0x10, s24, s1, $0xb8;
	[tilespmem:$0x121B8] =	vst v63  }
0x7f: {  	_ =	swait.ge [sflag:s17], $0x2000  }
0x80: {  	[sflag:s17] =	ssyncset.done $0x0  }
0x81: {  	s24 =	sadd.s32 $0x100, s23;
	[sflag:s17] =	ssyncadd.s32 $0xFFFFE000  }
0x82: {  	[tilespmem:s4], [sflag:$0x1] =	stream.indirect.gather [hbm4b:s5+s1], $0x40, s24, s1, $0xb8;
	[tilespmem:$0x121B8] =	vst v63  }
0x83: {  	_ =	swait.ge [sflag:s18], $0x2000  }
.Ltmp0:
0x84: {  	[sflag:s18] =	ssyncset.done $0x0;
	(pc) =	sbr.rel @p0 .LBB2_3-.Ltmp0, $4  }
0x85: {  	[sflag:s18] =	ssyncadd.s32 $0xFFFFE000  }
0x86: {  	_ =	swait.ge [sflag:s15], $0x800  }
0x87: {  	[sflag:s15] =	ssyncset.done $0x0  }
0x88: {  	s23 =	sadd.s32 $0x180, s23;
	[sflag:s15] =	ssyncadd.s32 $0xFFFFF800  }
0x89: {  	[tilespmem:s6], [sflag:$0x2] =	stream.indirect.gather [hbm4b:s5+s1], $0x40, s23, s1, $0xb8;
	[tilespmem:$0x121B8] =	vst v63  }
0x8a: {  	_ =	swait.ge [sflag:s13], $0x2000  }
0x8b: {  	[sflag:s13] =	ssyncset.done $0x0  }
0x8c: {  	[sflag:s13] =	ssyncadd.s32 $0xFFFFE000  }
0x8d: {  	[spmem:s2] =	stream.indirect.scatter.add.bf16 [tilespmem:s4], [sflag:$0x3], $0x40, s19, s1, $0xb8;
	[tilespmem:$0x121B8] =	vst v63  }
0x8e: {  	_ = 	snop  }
0x8f: {  	[spmem:s3] =	stream.indirect.scatter.add.f32 [tilespmem:s9], [sflag:$0x5], $0x10, s19, s1, $0xb8;
	[tilespmem:$0x121B8] =	vst v63  }
0x90: {  	_ =	swait.ge [sflag:s14], $0x2000  }
0x91: {  	[sflag:s14] =	ssyncset.done $0x0  }
0x92: {  	[sflag:s14] =	ssyncadd.s32 $0xFFFFE000  }
0x93: {  	[spmem:s2] =	stream.indirect.scatter.add.bf16 [tilespmem:s6], [sflag:$0x4], $0x40, s20, s1, $0xb8;
	[tilespmem:$0x121B8] =	vst v63  }
0x94: {  	_ =	swait.ge [sflag:s15], $0x800  }
0x95: {  	[sflag:s15] =	ssyncset.done $0x0  }
0x96: {  	[sflag:s15] =	ssyncadd.s32 $0xFFFFF800  }
0x97: {  	[spmem:s3] =	stream.indirect.scatter.add.f32 [tilespmem:s9], [sflag:$0x5], $0x10, s20, s1, $0xb8;
	[tilespmem:$0x121B8] =	vst v63  }
0x98: {  	_ =	swait.ge [sflag:s17], $0x2000  }
0x99: {  	[sflag:s17] =	ssyncset.done $0x0  }
0x9a: {  	[sflag:s17] =	ssyncadd.s32 $0xFFFFE000  }
0x9b: {  	_ =	swait.ge [sflag:s18], $0x2000  }
0x9c: {  	[sflag:s18] =	ssyncset.done $0x0  }
0x9d: {  	[sflag:s18] =	ssyncadd.s32 $0xFFFFE000  }
0x9e: {  	s22 =	smul.u32 $0x138800, s21;
	_ =	swait.ge [sflag:s15], $0x800  }
0x9f: {  	s23 =	smul.u32 $0x27100, s21;
	[sflag:s15] =	ssyncset.done $0x0;
	s25 =	rddreg [dreg:$0xa]  }
0xa0: {  	s24 =	rddreg [dreg:$0xd];
	s22 =	sadd.s32 s25, s22;
	[sflag:s15] =	ssyncadd.s32 $0xFFFFF800  }
0xa1: {  	s25 =	sshll.u32 s10, $0x6;
	s24 =	sadd.s32 s24, s22;
	[bflag:$0x0] =	sbarrier.arrive $0xFFFF  }
0xa2: {  	s25 =	sor.u32 $0x1C06, s25;
	s24 =	sshrl.u32 s24, $0x4;
	s26 =	rddreg [dreg:$0xb]  }
0xa3: {  	s23 =	sadd.s32 s26, s23;
	s24 =	sadd.s32 s11, s24;
	s26 =	rddreg [dreg:$0x13]  }
0xa4: {  	[hbm:s24], [sflag:s25] =	dma.local [spmem:s26], $0x400  }
0xa5: {  	_ =	swait.ge [sflag:s8], $0x400  }
0xa6: {  	s26 =	rddreg [dreg:$0x14]  }
0xa7: {  	s24 =	sadd.s32 s26, s23  }
0xa8: {  	[sflag:s8] =	ssyncset.done $0x0;
	s24 =	sshrl.u32 s24, $0x3  }
0xa9: {  	[sflag:s8] =	ssyncadd.s32 $0xFFFFFC00;
	s26 =	sshrl.u32 s30, $0x3;
	s24 =	sadd.s32 s12, s24  }
0xaa: {  	[hbm:s24], [sflag:s25] =	dma.local [spmem:s26], $0x100  }
0xab: {  	_ =	swait.ge [sflag:s8], $0x100  }
0xac: {  	s26 =	rddreg [dreg:$0x11]  }
0xad: {  	s24 =	sadd.s32 s26, s22  }
0xae: {  	[sflag:s8] =	ssyncset.done $0x0;
	s24 =	sshrl.u32 s24, $0x4  }
0xaf: {  	[sflag:s8] =	ssyncadd.s32 $0xFFFFFF00;
	s26 =	rddreg [dreg:$0x15];
	s24 =	sadd.s32 s11, s24  }
0xb0: {  	[hbm:s24], [sflag:s25] =	dma.local [spmem:s26], $0x400  }
0xb1: {  	s26 =	sadd.s32 s28, s23;
	_ =	swait.ge [sflag:s8], $0x400  }
0xb2: {  	s24 =	sshrl.u32 s26, $0x3;
	[sflag:s8] =	ssyncset.done $0x0  }
0xb3: {  	s26 =	sshrl.u32 s31, $0x3;
	s24 =	sadd.s32 s12, s24;
	[sflag:s8] =	ssyncadd.s32 $0xFFFFFC00  }
0xb4: {  	[hbm:s24], [sflag:s25] =	dma.local [spmem:s26], $0x100  }
0xb5: {  	_ =	swait.ge [sflag:s8], $0x100  }
0xb6: {  	s26 =	rddreg [dreg:$0x12]  }
0xb7: {  	s22 =	sadd.s32 s26, s22  }
0xb8: {  	[sflag:s8] =	ssyncset.done $0x0;
	s22 =	sshrl.u32 s22, $0x4  }
0xb9: {  	[sflag:s8] =	ssyncadd.s32 $0xFFFFFF00;
	s26 =	rddreg [dreg:$0x16];
	s22 =	sadd.s32 s11, s22  }
0xba: {  	[hbm:s22], [sflag:s25] =	dma.local [spmem:s26], $0x400  }
0xbb: {  	s21 =	sadd.s32 $0x1, s21;
	s24 =	sadd.s32 s29, s23;
	_ =	swait.ge [sflag:s8], $0x400  }
0xbc: {  	p0 =	sne.s32 s21, $0x3;
	s22 =	sshrl.u32 s24, $0x3;
	[sflag:s8] =	ssyncset.done $0x0  }
0xbd: {  	s26 =	sshrl.u32 s0, $0x3;
	s22 =	sadd.s32 s12, s22;
	[sflag:s8] =	ssyncadd.s32 $0xFFFFFC00  }
0xbe: {  	[hbm:s22], [sflag:s25] =	dma.local [spmem:s26], $0x100  }
.Ltmp1:
0xbf: {  	_ =	swait.ge [sflag:s8], $0x100;
	(pc) =	sbr.rel @p0 .LBB2_2-.Ltmp1, $3  }
0xc0: {  	[sflag:s8] =	ssyncset.done $0x0  }
0xc1: {  	[sflag:s8] =	ssyncadd.s32 $0xFFFFFF00  }
0xc2: {  	[bflag:$0x0] =	sbarrier.arrive $0xFFFF;
	_ =	sdelay $0x1  }
0xc3: {  	s22 =	rddreg [dreg:$0x17]  }
0xc4: {  	s21 =	rddreg [dreg:$0xc];
	s22 =	sadd.s32 $0x1, s22  }
0xc5: {  	p0 =	sne.s32 s22, s21  }
.Ltmp2:
0xc6: {  	_ = 	snop;
	(pc) =	sbr.rel @p0 .LBB2_1-.Ltmp2, $1  }
0xc7: {  	_ =	sdelay $0x3  }
0xc8: {  	_ =	sfence.sel $0x180000  }
0xc9: {  	[bflag:$0x0] =	sbarrier.arrive $0xFFFF  }
0xca: {  	_ =	strace $0x90000047  }
0xcb: {  	[bflag:$0x2] =	sbarrier.arrive $0xFFFF  }
0xcc: {  	p0 =	sne.s32 s10, $0x0;
	s0 =	rddreg [dreg:$0x4]  }
0xcd: {  	s0 =	sadd.s32 @!p0 $0x100000, s0  }
0xce: {  	[sflag:s0] =	ssyncadd.tile.s32 @!p0 $0x1;
	_ =	shalt  }
.Lfunc_end2:
_tile_overlayer_lowered:
.L_overlay_start_2:
0xcf: {  	(tag) =	ssettag $0x2  }
0xd0: {  	s0 =	rddreg [dreg:$0x0];
	s2 =	stileid.u32  }
0xd1: {  	s1 =	rddreg [dreg:$0x1];
	p0 =	sne.s32 s2, $0x0  }
0xd2: {  	s3 =	rddreg [dreg:$0x2];
	[bflag:$0x3] =	sbarrier.arrive $0xFFFF;
	s2 =	simm.s32 @!p0 $0x1C06  }
0xd3: {  	[timem:s3], [sflag:s2] =	dma.local @!p0 [hbm:s0], s1  }
0xd4: {  	s0 =	simm.s32 @!p0 $0x6  }
0xd5: {  	_ =	swait.ge @!p0 [sflag:s0], s1  }
0xd6: {  	s1 =	ssub.s32 @!p0 $0x0, s1;
	[sflag:s0] =	ssyncset.done @!p0 $0x0  }
0xd7: {  	[sflag:s0] =	ssyncadd.s32 @!p0 s1  }
0xd8: {  	[bflag:$0x3] =	sbarrier.arrive $0xFFFF  }
0xd9: {  	_ =	shalt  }

// kernel: kernel.9.cloned.1.call-start
scs
__scs_entry_jumppad:
0x0: {  	(pc) =	sbr.rel $0x88, $3  }
0x1: {  	(tag) =	ssettag $0x0;
	lr =	simm.s32 $0x1  }
0x2: {  	[smem:$0x3F91] =	sst lr;
	_ =	strace $0xD0000000  }
0x3: {  	_ = 	snop  }
0x4: {  	_ = 	snop  }
0x5: {  	_ = 	snop  }
0x6: {  	_ = 	snop  }
0x7: {  	_ = 	snop  }
__scs_overlays_trampoline_lowered:
0x8: {  	[smem:$0x3FA0] =	sst s0  }
0x9: {  	[smem:$0x3FA1] =	sst s1  }
0xa: {  	[smem:$0x3FA2] =	sst s2  }
0xb: {  	[smem:$0x3FA3] =	sst s3  }
0xc: {  	[smem:$0x3FA4] =	sst s4  }
0xd: {  	[smem:$0x3FA5] =	sst s5  }
0xe: {  	[smem:$0x3FA6] =	sst s6  }
0xf: {  	[smem:$0x3FA7] =	sst s7  }
0x10: {  	[smem:$0x3FA8] =	sst s8  }
0x11: {  	[smem:$0x3FA9] =	sst s9;
	s0 =	simm.s32 @!p0 $0x0  }
0x12: {  	s1 =	sld [smem:$0x3F8F];
	s0 =	simm.s32 @p0 $0x1  }
0x13: {  	[smem:$0x3FAA] =	sst s0;
	s0 =	simm.s32 @!p1 $0x0  }
0x14: {  	s2 =	sld [smem:$0x3F8E];
	s0 =	simm.s32 @p1 $0x1  }
0x15: {  	[smem:$0x3FAB] =	sst s0;
	s0 =	simm.s32 @!p2 $0x0  }
0x16: {  	s3 =	sld [smem:$0x3FDB];
	s0 =	simm.s32 @p2 $0x1  }
0x17: {  	s4 =	simm.s32 $0x1BF5;
	[smem:$0x3FAD] =	sst s0  }
0x18: {  	s0 =	sld [smem:$0x3F90];
	_ =	swait.ge [sflag:s4], $0x0  }
0x19: {  	s7 =	sld [smem:$0x3F91]  }
0x1a: {  	s8 =	sadd.s32 $0xFFFFE003, lr  }
0x1b: {  	s9 =	sadd.s32 $0xFFFFFEF7, lr;
	s5 =	simm.s32 $0xFFFFFFFF;
	p2 =	slt.u32 s8, $0xFFFFF086  }
0x1c: {  	p1 =	slt.u32 s9, $0xF7A;
	s5 =	simm.s32 @!p2 $0x0  }
0x1d: {  	s5 =	simm.s32 @p1 $0x1;
	p0 =	seq.s32 s7, s2  }
0x1e: {  	s7 =	smul.u32 @!p0 $0xF7A, s2;
	p2 =	seq.s32 @!p0 s5, $0x0  }
0x1f: {  	s9 =	smul.u32 $0xF7A, s1;
	s8 =	simm.s32 @!p0 $0x1BF5;
	p2 =	por !p2, p0  }
0x20: {  	[sflag:s8] =	ssyncset.s32 @!p0 $0xFFFFF086;
	s6 =	sadd.s32 @!p0 s3, s7;
	s7 =	simm.s32 @!p0 $0x108  }
0x21: {  	s3 =	sadd.s32 s3, s9;
	s6 =	sadd.s32 @!p0 $0x88, s6;
	s7 =	simm.s32 @p2 $0x1082  }
0x22: {  	[simem:s7], [sflag:s8] =	dma.local @!p0 [hbm:s6], $0xF7A  }
0x23: {  	s9 =	sor.u32 $0xD0000000, s2;
	s6 =	simm.s32 $0x108;
	_ =	swait.ge @!p0 [sflag:s8], $0x0  }
0x24: {  	s3 =	sadd.s32 $0x88, s3;
	s6 =	simm.s32 @!p1 $0x1082;
	[sflag:s4] =	ssyncset.s32 $0xFFFFF086  }
0x25: {  	[simem:s6], [sflag:s4] =	dma.local [hbm:s3], $0xF7A  }
0x26: {  	[smem:$0x3F91] =	sst s1;
	(tag) =	ssettag s2;
	_ =	strace s9  }
0x27: {  	s1 =	sld [smem:$0x3FA1]  }
0x28: {  	s2 =	sld [smem:$0x3FA2]  }
0x29: {  	s4 =	sld [smem:$0x3FA4]  }
0x2a: {  	p0 =	seq.s32 s5, $0x0;
	s5 =	sld [smem:$0x3FA5]  }
0x2b: {  	s6 =	sld [smem:$0x3FA6]  }
0x2c: {  	s7 =	sld [smem:$0x3FA7]  }
0x2d: {  	s3 =	simm.s32 $0x108;
	s8 =	sld [smem:$0x3FA8]  }
0x2e: {  	s3 =	simm.s32 @!p0 $0x1082;
	s9 =	sld [smem:$0x3FA9]  }
0x2f: {  	lr =	sadd.s32 s0, s3;
	s0 =	sld [smem:$0x3FA0]  }
0x30: {  	s3 =	sld [smem:$0x3FA3]  }
0x31: {  	[smem:$0x3FAC] =	sst s10  }
0x32: {  	s10 =	sld [smem:$0x3FAA];
	_ =	sdelay $0x3  }
0x33: {  	p0 =	seq.s32 s10, $0x1;
	s10 =	sld [smem:$0x3FAC];
	_ =	sdelay $0x3  }
0x34: {  	[smem:$0x3FAC] =	sst s10  }
0x35: {  	s10 =	sld [smem:$0x3FAB];
	_ =	sdelay $0x3  }
0x36: {  	p1 =	seq.s32 s10, $0x1;
	s10 =	sld [smem:$0x3FAC];
	_ =	sdelay $0x3  }
0x37: {  	[smem:$0x3FAC] =	sst s10  }
0x38: {  	s10 =	sld [smem:$0x3FAD]  }
0x39: {  	_ = 	snop;
	(pc) =	sbr.ind lr, $3  }
0x3a: {  	_ = 	snop  }
0x3b: {  	_ = 	snop  }
0x3c: {  	p2 =	seq.s32 s10, $0x1;
	s10 =	sld [smem:$0x3FAC]  }
0x3d: {  	_ =	shalt  }
0x3e: {  	_ =	shalt  }
0x3f: {  	_ =	shalt  }
0x40: {  	_ =	shalt  }
0x41: {  	_ =	shalt  }
0x42: {  	_ =	shalt  }
0x43: {  	_ =	shalt  }
0x44: {  	_ =	shalt  }
0x45: {  	_ =	shalt  }
0x46: {  	_ =	shalt  }
0x47: {  	_ =	shalt  }
0x48: {  	_ =	shalt  }
0x49: {  	_ =	shalt  }
0x4a: {  	_ =	shalt  }
0x4b: {  	_ =	shalt  }
0x4c: {  	_ =	shalt  }
0x4d: {  	_ =	shalt  }
0x4e: {  	_ =	shalt  }
0x4f: {  	_ =	shalt  }
0x50: {  	_ =	shalt  }
0x51: {  	_ =	shalt  }
0x52: {  	_ =	shalt  }
0x53: {  	_ =	shalt  }
0x54: {  	_ =	shalt  }
0x55: {  	_ =	shalt  }
0x56: {  	_ =	shalt  }
0x57: {  	_ =	shalt  }
0x58: {  	_ =	shalt  }
0x59: {  	_ =	shalt  }
0x5a: {  	_ =	shalt  }
0x5b: {  	_ =	shalt  }
0x5c: {  	_ =	shalt  }
0x5d: {  	_ =	shalt  }
0x5e: {  	_ =	shalt  }
0x5f: {  	_ =	shalt  }
0x60: {  	_ =	shalt  }
0x61: {  	_ =	shalt  }
0x62: {  	_ =	shalt  }
0x63: {  	_ =	shalt  }
0x64: {  	_ =	shalt  }
0x65: {  	_ =	shalt  }
0x66: {  	_ =	shalt  }
0x67: {  	_ =	shalt  }
0x68: {  	_ =	shalt  }
0x69: {  	_ =	shalt  }
0x6a: {  	_ =	shalt  }
0x6b: {  	_ =	shalt  }
0x6c: {  	_ =	shalt  }
0x6d: {  	_ =	shalt  }
0x6e: {  	_ =	shalt  }
0x6f: {  	_ =	shalt  }
0x70: {  	_ =	shalt  }
0x71: {  	_ =	shalt  }
0x72: {  	_ =	shalt  }
0x73: {  	_ =	shalt  }
0x74: {  	_ =	shalt  }
0x75: {  	_ =	shalt  }
0x76: {  	_ =	shalt  }
0x77: {  	_ =	shalt  }
0x78: {  	_ =	shalt  }
0x79: {  	_ =	shalt  }
0x7a: {  	_ =	shalt  }
0x7b: {  	_ =	shalt  }
0x7c: {  	_ =	shalt  }
0x7d: {  	_ =	shalt  }
0x7e: {  	_ =	shalt  }
0x7f: {  	_ =	shalt  }
0x80: {  	_ =	shalt  }
0x81: {  	_ =	shalt  }
0x82: {  	_ =	shalt  }
0x83: {  	_ =	shalt  }
0x84: {  	_ =	shalt  }
0x85: {  	_ =	shalt  }
0x86: {  	_ =	shalt  }
0x87: {  	_ =	shalt  }
.Lfunc_end0:
.L_simem_size_0:
called_computation.1_lowered:
.L_overlay_start_0:
0x88: {  	s2 =	sld [smem:$0x3FD9]  }
0x89: {  	s3 =	sld [smem:$0x3FFE];
	_ =	sdelay $0x1  }
0x8a: {  	s1 =	srdreg.scid  }
0x8b: {  	s0 =	sand.u32 $0x1, s1  }
0x8c: {  	s17 =	sshll.u32 s0, $0xA;
	s2 =	sadd.s32 s3, s2  }
0x8d: {  	s2 =	sadd.s32 s2, s17  }
0x8e: {  	[smem:$0x3FB8] =	sst s2  }
0x8f: {  	_ = 	snop  }
0x90: {  	s2 =	sld [smem:$0x3FD0];
	(tm) =	ssettm $0x1  }
0x91: {  	s18 =	sld [smem:$0x3FFB];
	_ =	sdelay $0x3  }
0x92: {  	_ =	strace s18  }
0x93: {  	s3 =	sld [smem:$0x3FFC];
	_ =	sdelay $0x3  }
0x94: {  	_ =	strace s3  }
0x95: {  	s3 =	sld [smem:$0x3FFD];
	_ =	sdelay $0x3  }
0x96: {  	_ =	strace s3  }
0x97: {  	_ =	strace $0x8FFFFFFF  }
0x98: {  	s19 =	sld [smem:$0x3FDB];
	_ =	sdelay $0x1  }
0x99: {  	s4 =	simm.s32 $_scs_section_size  }
0x9a: {  	s5 =	simm.s32 $_size__tile_overlayer_lowered;
	s6 =	simm.s32 $_tile_overlayer_lowered  }
0x9b: {  	s22 =	simm.s32 $0x1BFF;
	s21 =	sshll.u32 s6, $0x1;
	s3 =	sadd.s32 s4, s19  }
0x9c: {  	s7 =	simm.s32 $0x0;
	s20 =	sshll.u32 s5, $0x1;
	s5 =	sadd.s32 s21, s3  }
0x9d: {  	[timem:s7], [sflag:s22] =	dma.local [hbm:s5], s20  }
0x9e: {  	_ =	swait.ge [sflag:s22], s20  }
0x9f: {  	s4 =	ssub.s32 $0x0, s20;
	[sflag:s22] =	ssyncset.done $0x0  }
0xa0: {  	[sflag:s22] =	ssyncadd.s32 s4;
	_ =	sdelay $0x1  }
0xa1: {  	s23 =	simm.s32 $0x1B8B  }
0xa2: {  	_ =	swait.ge [sflag:s23], $0x1  }
0xa3: {  	[sflag:s23] =	ssyncset.done $0x0  }
0xa4: {  	s25 =	simm.s32 $0x1B8E;
	s24 =	sld [smem:$0x3FFE];
	[sflag:s23] =	ssyncadd.s32 $0xFFFFFFFF  }
0xa5: {  	s26 =	simm.s32 $execute0_lowered;
	[smem:$0x3FD2] =	sst s25  }
0xa6: {  	s5 =	sshll.u32 s26, $0x1;
	_ =	strace $0x80000049;
	[dreg:$0x1] =	wrdreg $0xFFFFFFFF  }
0xa7: {  	s28 =	simm.s32 $_size_execute0_lowered;
	s3 =	sadd.s32 s3, s5;
	[dreg:$0x0] =	wrdreg $0x0  }
0xa8: {  	s5 =	sshll.u32 s28, $0x1;
	[dreg:$0x2] =	wrdreg s3  }
0xa9: {  	[dreg:$0x3] =	wrdreg s5  }
0xaa: {  	[dreg:$0x4] =	wrdreg $0xC0  }
0xab: {  	_ =	task [dreg:s7], $0x5FFFF  }
0xac: {  	[dreg:$0x1] =	wrdreg $0xFFFFFFFF  }
0xad: {  	[dreg:$0x0] =	wrdreg $0x60  }
0xae: {  	[dreg:$0x2] =	wrdreg s24  }
0xaf: {  	[dreg:$0x3] =	wrdreg s2  }
0xb0: {  	[dreg:$0x4] =	wrdreg $0xC0000  }
0xb1: {  	[dreg:$0x5] =	wrdreg $0x10E280  }
0xb2: {  	[dreg:$0x6] =	wrdreg $0x9  }
0xb3: {  	_ =	task.clear_ibuf [dreg:s7], $0x7FFFF;
	_ =	strace $0x90000049  }
0xb4: {  	s29 =	simm.s32 $0x9;
	_ =	strace $0x8000004B  }
0xb5: {  	_ =	swait.ge [sflag:s29], $0x1  }
0xb6: {  	[sflag:s29] =	ssyncadd.s32 $0xFFFFFFFF  }
0xb7: {  	_ =	strace $0x9000004B  }
0xb8: {  	_ =	sfence  }
0xb9: {  	s30 =	sld [smem:$0x0];
	_ =	sdelay $0x2  }
0xba: {  	s31 =	sshll.u32 s1, $0xD;
	s1 =	sshrl.u32 s1, $0x2  }
0xbb: {  	s3 =	sand.u32 $0x4000, s31;
	s1 =	sadd.s32 s1, s30  }
0xbc: {  	s0 =	sor.u32 s3, s0;
	s1 =	sshll.u32 s1, $0x11  }
0xbd: {  	s0 =	sor.u32 s1, s0  }
0xbe: {  	s0 =	sadd.s32 $0x8F2B, s0  }
0xbf: {  	[sflag:s0] =	ssyncadd.remote.s32 $0x1  }
0xc0: {  	_ =	sfence.sel $0xFFFF  }
0xc1: {  	[dreg:$0x0] =	wrdreg $0xFFFFFFFF;
	(pc) =	sbr.abs _section_cstart, $3  }
0xc2: {  	[dreg:$0x1] =	wrdreg $0xFFFFFFFF  }
0xc3: {  	_ =	task.clear_ibuf [dreg:s7], $0x2FFFF;
	_ =	strace $0x9FFFFFFF  }
0xc4: {  	(tm) =	ssettm $0x7FFFFFFF  }
0xc5: {  	_ =	shalt  }
tec
execute0_lowered:
.L_overlay_start_1:
0x0: {  	(tag) =	ssettag $0x1  }
0x1: {  	s0 =	rddreg [dreg:$0x0]  }
0x2: {  	s2 =	rddreg [dreg:$0x2]  }
0x3: {  	s3 =	rddreg [dreg:$0x3];
	s1 =	simm.s32 $0x0;
	s13 =	srdreg.scid  }
0x4: {  	s10 =	stileid.u32;
	s9 =	simm.s32 $0x9000;
	[smem:$0x7FF] =	sst s1  }
0x5: {  	s5 =	sadd.s32 $0x3A00, s0;
	s11 =	sadd.s32 $0x17400, s0;
	s12 =	sadd.s32 $0x26800, s0  }
0x6: {  	s4 =	sadd.s32 $0x26400, s0;
	s14 =	sadd.s32 $0x26A00, s0;
	s1 =	sand.u32 $0x1, s13  }
0x7: {  	s17 =	sshll.u32 s10, $0x7;
	_ =	strace $0x8000004A;
	[dreg:$0x5] =	wrdreg s11  }
0x8: {  	s19 =	sshll.u32 s10, $0xE;
	s20 =	sshll.u32 s10, $0xD;
	[dreg:$0x6] =	wrdreg s12  }
0x9: {  	s25 =	sshll.u32 s10, $0xB;
	s13 =	simm.s32 $0x1;
	[dreg:$0x7] =	wrdreg s4  }
0xa: {  	[dreg:$0x8] =	wrdreg s14;
	s11 =	sadd.s32 $0xAAC00, s0;
	s6 =	smul.u32 $0x3, s1  }
0xb: {  	s12 =	sadd.s32 $0x9C000, s0;
	s15 =	ssub.s32 $0x2, s1;
	s18 =	smul.u32 $0x9C400, s1  }
0xc: {  	s1 =	smul.u32 $0x13880, s1;
	s21 =	sor.u32 $0x800, s17;
	[dreg:$0xd] =	wrdreg s19  }
0xd: {  	s4 =	sor.u32 $0x1000, s17;
	s24 =	sshrl.u32 s19, $0x1;
	[dreg:$0x14] =	wrdreg s25  }
0xe: {  	s30 =	sadd.s32 s25, s3;
	s14 =	simm.s32 $0x2;
	s17 =	simm.s32 $0x3  }
0xf: {  	s19 =	simm.s32 $0x4F00;
	s16 =	sshrl.u32 s15, $0x1;
	[dreg:$0x9] =	wrdreg s6  }
0x10: {  	s22 =	sshll.u32 s21, $0x6;
	s4 =	smin.u32 s4, $0x1308;
	[dreg:$0xa] =	wrdreg s18  }
0x11: {  	s7 =	sshll.u32 s21, $0x4;
	s0 =	ssub.s32 s15, s16;
	[dreg:$0xb] =	wrdreg s1  }
0x12: {  	s23 =	sshll.u32 s4, $0x6;
	s8 =	sshll.u32 s4, $0x4;
	s1 =	sshll.u32 s21, $0x7  }
0x13: {  	s4 =	sshll.u32 s4, $0x7;
	s28 =	smov.u32 s7;
	s31 =	sadd.s32 s7, s3  }
0x14: {  	s7 =	simm.s32 $0x9800;
	s16 =	simm.s32 $0xB800;
	s6 =	simm.s32 $0x7000  }
0x15: {  	s15 =	simm.s32 $0x5;
	s18 =	simm.s32 $0x4;
	[dreg:$0x11] =	wrdreg s1  }
0x16: {  	s0 =	smax.u32 s0, $0x1;
	s1 =	sshrl.u32 s1, $0x1;
	[dreg:$0x12] =	wrdreg s4  }
0x17: {  	s4 =	sshrl.u32 s4, $0x1;
	s29 =	smov.u32 s8;
	[dreg:$0xc] =	wrdreg s0  }
0x18: {  	s0 =	sadd.s32 s20, s2;
	s1 =	sadd.s32 s1, s2;
	s4 =	sadd.s32 s4, s2  }
0x19: {  	s20 =	simm.s32 $0x4F80;
	[dreg:$0xe] =	wrdreg s0;
	s0 =	sadd.s32 s22, s2  }
0x1a: {  	s1 =	sshrl.u32 s1, $0x3;
	s26 =	sshrl.u32 s4, $0x3;
	[dreg:$0xf] =	wrdreg s0  }
0x1b: {  	s4 =	simm.s32 $0x5000;
	s0 =	sadd.s32 s23, s2;
	[dreg:$0x15] =	wrdreg s1  }
0x1c: {  	s22 =	simm.s32 $0x0;
	[dreg:$0x10] =	wrdreg s0;
	s0 =	sadd.s32 s24, s2  }
0x1d: {  	[dreg:$0x16] =	wrdreg s26;
	s1 =	simm.s32 $0x80;
	s0 =	sshrl.u32 s0, $0x3  }
0x1e: {  	[dreg:$0x13] =	wrdreg s0;
	s0 =	sadd.s32 s8, s3;
	s8 =	simm.s32 $0x6  }
.LBB2_1:
0x1f: {  	[dreg:$0x17] =	wrdreg s22  }
0x20: {  	s21 =	simm.s32 $0x0;
	s24 =	rddreg [dreg:$0x7]  }
0x21: {  	[tilespmem:s7], [sflag:$0x6] =	stream.linear.gather [hbm4b:s24+s21], $0x2000, $0x38;
	[tilespmem:$0x121B8] =	vst v63  }
0x22: {  	_ =	swait.ge [sflag:s8], $0x2000  }
0x23: {  	[sflag:s8] =	ssyncset.done $0x0  }
0x24: {  	s25 =	rddreg [dreg:$0x6];
	[sflag:s8] =	ssyncadd.s32 $0xFFFFE000  }
0x25: {  	[tilespmem:s9], [sflag:$0x6] =	stream.linear.gather [hbm4b:s25+s21], $0x800, $0x38;
	[tilespmem:$0x121B8] =	vst v63  }
0x26: {  	_ =	swait.ge [sflag:s8], $0x800  }
0x27: {  	[sflag:s8] =	ssyncset.done $0x0  }
0x28: {  	s26 =	rddreg [dreg:$0x8];
	[sflag:s8] =	ssyncadd.s32 $0xFFFFF800  }
0x29: {  	[tilespmem:s16], [sflag:$0x6] =	stream.linear.gather [hbm4b:s26+s21], $0x800, $0x38;
	[tilespmem:$0x121B8] =	vst v63  }
0x2a: {  	_ =	swait.ge [sflag:s8], $0x800  }
0x2b: {  	[sflag:s8] =	ssyncset.done $0x0  }
0x2c: {  	s21 =	simm.s32 $0x0;
	[sflag:s8] =	ssyncadd.s32 $0xFFFFF800  }
.LBB2_2:
0x2d: {  	s22 =	rddreg [dreg:$0xe]  }
0x2e: {  	[spmem:s22] =	stream.linear.scatter [tilespmem:s7], [sflag:$0x6], $0x2000, $0x38;
	[tilespmem:$0x121B8] =	vst v63  }
0x2f: {  	_ =	swait.ge [sflag:s8], $0x2000  }
0x30: {  	[sflag:s8] =	ssyncset.done $0x0  }
0x31: {  	[sflag:s8] =	ssyncadd.s32 $0xFFFFE000  }
0x32: {  	[spmem:s30] =	stream.linear.scatter [tilespmem:s16], [sflag:$0x6], $0x800, $0x38;
	[tilespmem:$0x121B8] =	vst v63  }
0x33: {  	_ =	swait.ge [sflag:s8], $0x800  }
0x34: {  	[sflag:s8] =	ssyncset.done $0x0  }
0x35: {  	s26 =	rddreg [dreg:$0xf];
	[sflag:s8] =	ssyncadd.s32 $0xFFFFF800  }
0x36: {  	[spmem:s26] =	stream.linear.scatter [tilespmem:s7], [sflag:$0x6], $0x2000, $0x38;
	[tilespmem:$0x121B8] =	vst v63  }
0x37: {  	_ =	swait.ge [sflag:s8], $0x2000  }
0x38: {  	[sflag:s8] =	ssyncset.done $0x0  }
0x39: {  	[sflag:s8] =	ssyncadd.s32 $0xFFFFE000  }
0x3a: {  	[spmem:s31] =	stream.linear.scatter [tilespmem:s16], [sflag:$0x6], $0x800, $0x38;
	[tilespmem:$0x121B8] =	vst v63  }
0x3b: {  	_ =	swait.ge [sflag:s8], $0x800  }
0x3c: {  	[sflag:s8] =	ssyncset.done $0x0  }
0x3d: {  	s23 =	rddreg [dreg:$0x10];
	[sflag:s8] =	ssyncadd.s32 $0xFFFFF800  }
0x3e: {  	[spmem:s23] =	stream.linear.scatter [tilespmem:s7], [sflag:$0x6], $0x2000, $0x38;
	[tilespmem:$0x121B8] =	vst v63  }
0x3f: {  	_ =	swait.ge [sflag:s8], $0x2000  }
0x40: {  	[sflag:s8] =	ssyncset.done $0x0  }
0x41: {  	[sflag:s8] =	ssyncadd.s32 $0xFFFFE000  }
0x42: {  	[spmem:s0] =	stream.linear.scatter [tilespmem:s16], [sflag:$0x6], $0x800, $0x38;
	[tilespmem:$0x121B8] =	vst v63  }
0x43: {  	_ =	swait.ge [sflag:s8], $0x800  }
0x44: {  	s24 =	sshll.u32 s21, $0x4;
	[sflag:s8] =	ssyncset.done $0x0  }
0x45: {  	s22 =	sor.u32 s10, s24;
	[sflag:s8] =	ssyncadd.s32 $0xFFFFF800  }
0x46: {  	s22 =	smul.u32 $0x500, s22;
	[bflag:$0x0] =	sbarrier.arrive $0xFFFF  }
0x47: {  	s23 =	rddreg [dreg:$0x5]  }
0x48: {  	s25 =	rddreg [dreg:$0x9];
	s22 =	sadd.s32 s23, s22;
	s23 =	simm.s32 $0x0  }
0x49: {  	[tilespmem:s23], [sflag:$0x6] =	stream.linear.gather [hbm4b:s22+s23], $0x2800, $0x38;
	[tilespmem:$0x121B8] =	vst v63  }
0x4a: {  	s22 =	sadd.s32 s25, s21  }
0x4b: {  	s22 =	sshll.u32 s22, $0x4;
	_ =	swait.ge [sflag:s8], $0x2800  }
0x4c: {  	s22 =	sor.u32 s10, s22;
	[sflag:s8] =	ssyncset.done $0x0  }
0x4d: {  	s22 =	smul.u32 $0x500, s22;
	[sflag:s8] =	ssyncadd.s32 $0xFFFFD800  }
0x4e: {  	s24 =	rddreg [dreg:$0x1]  }
0x4f: {  	s26 =	simm.s32 $0x2800;
	s22 =	sadd.s32 s24, s22  }
0x50: {  	[tilespmem:s26], [sflag:$0x6] =	stream.linear.gather [hbm4b:s22+s23], $0x2800, $0x38;
	[tilespmem:$0x121B8] =	vst v63  }
0x51: {  	_ =	swait.ge [sflag:s8], $0x2800  }
0x52: {  	[sflag:s8] =	ssyncset.done $0x0  }
0x53: {  	[sflag:s8] =	ssyncadd.s32 $0xFFFFD800  }
0x54: {  	[tilespmem:s4], [sflag:$0x1] =	stream.indirect.gather [hbm4b:s5+s1], $0x40, s23, s1, $0xb8;
	[tilespmem:$0x121B8] =	vst v63  }
0x55: {  	_ = 	snop  }
0x56: {  	[tilespmem:s6], [sflag:$0x2] =	stream.indirect.gather [hbm4b:s5+s1], $0x40, s1, s1, $0xb8;
	[tilespmem:$0x121B8] =	vst v63  }
0x57: {  	_ =	swait.ge [sflag:s13], $0x2000  }
0x58: {  	[sflag:s13] =	ssyncset.done $0x0  }
0x59: {  	s24 =	simm.s32 $0x2800;
	[sflag:s13] =	ssyncadd.s32 $0xFFFFE000  }
0x5a: {  	[spmem:s2] =	stream.indirect.scatter.add.bf16 [tilespmem:s4], [sflag:$0x3], $0x40, s24, s1, $0xb8;
	[tilespmem:$0x121B8] =	vst v63  }
0x5b: {  	_ = 	snop  }
0x5c: {  	[spmem:s3] =	stream.indirect.scatter.add.f32 [tilespmem:s9], [sflag:$0x5], $0x10, s24, s1, $0xb8;
	[tilespmem:$0x121B8] =	vst v63  }
0x5d: {  	_ =	swait.ge [sflag:s14], $0x2000  }
0x5e: {  	[sflag:s14] =	ssyncset.done $0x0  }
0x5f: {  	s25 =	simm.s32 $0x2880;
	[sflag:s14] =	ssyncadd.s32 $0xFFFFE000  }
0x60: {  	[spmem:s2] =	stream.indirect.scatter.add.bf16 [tilespmem:s6], [sflag:$0x4], $0x40, s25, s1, $0xb8;
	[tilespmem:$0x121B8] =	vst v63  }
0x61: {  	_ =	swait.ge [sflag:s15], $0x800  }
0x62: {  	[sflag:s15] =	ssyncset.done $0x0  }
0x63: {  	[sflag:s15] =	ssyncadd.s32 $0xFFFFF800  }
0x64: {  	[spmem:s3] =	stream.indirect.scatter.add.f32 [tilespmem:s9], [sflag:$0x5], $0x10, s25, s1, $0xb8;
	[tilespmem:$0x121B8] =	vst v63  }
0x65: {  	_ =	swait.ge [sflag:s17], $0x2000  }
0x66: {  	[sflag:s17] =	ssyncset.done $0x0  }
0x67: {  	s26 =	simm.s32 $0x100;
	[sflag:s17] =	ssyncadd.s32 $0xFFFFE000  }
0x68: {  	[tilespmem:s4], [sflag:$0x1] =	stream.indirect.gather [hbm4b:s5+s1], $0x40, s26, s1, $0xb8;
	[tilespmem:$0x121B8] =	vst v63  }
0x69: {  	_ =	swait.ge [sflag:s18], $0x2000  }
0x6a: {  	[sflag:s18] =	ssyncset.done $0x0  }
0x6b: {  	[sflag:s18] =	ssyncadd.s32 $0xFFFFE000  }
0x6c: {  	_ =	swait.ge [sflag:s15], $0x800  }
0x6d: {  	[sflag:s15] =	ssyncset.done $0x0  }
0x6e: {  	s22 =	simm.s32 $0x400;
	s23 =	simm.s32 $0x180;
	[sflag:s15] =	ssyncadd.s32 $0xFFFFF800  }
.LBB2_3:
0x6f: {  	[tilespmem:s6], [sflag:$0x2] =	stream.indirect.gather [hbm4b:s5+s1], $0x40, s23, s1, $0xb8;
	[tilespmem:$0x121B8] =	vst v63  }
0x70: {  	s23 =	smov.u32 s22  }
0x71: {  	p0 =	sne.s32 s22, $0x9800;
	s22 =	sadd.s32 $0x400, s22;
	_ =	swait.ge [sflag:s13], $0x2000  }
0x72: {  	s23 =	sshra.s32 s23, $0x2;
	[sflag:s13] =	ssyncset.done $0x0  }
0x73: {  	s24 =	sadd.s32 $0x2800, s23;
	[sflag:s13] =	ssyncadd.s32 $0xFFFFE000  }
0x74: {  	[spmem:s2] =	stream.indirect.scatter.add.bf16 [tilespmem:s4], [sflag:$0x3], $0x40, s24, s1, $0xb8;
	[tilespmem:$0x121B8] =	vst v63  }
0x75: {  	_ = 	snop  }
0x76: {  	[spmem:s3] =	stream.indirect.scatter.add.f32 [tilespmem:s9], [sflag:$0x5], $0x10, s24, s1, $0xb8;
	[tilespmem:$0x121B8] =	vst v63  }
0x77: {  	_ =	swait.ge [sflag:s14], $0x2000  }
0x78: {  	[sflag:s14] =	ssyncset.done $0x0  }
0x79: {  	s24 =	sadd.s32 $0x2880, s23;
	[sflag:s14] =	ssyncadd.s32 $0xFFFFE000  }
0x7a: {  	[spmem:s2] =	stream.indirect.scatter.add.bf16 [tilespmem:s6], [sflag:$0x4], $0x40, s24, s1, $0xb8;
	[tilespmem:$0x121B8] =	vst v63  }
0x7b: {  	_ =	swait.ge [sflag:s15], $0x800  }
0x7c: {  	[sflag:s15] =	ssyncset.done $0x0  }
0x7d: {  	[sflag:s15] =	ssyncadd.s32 $0xFFFFF800  }
0x7e: {  	[spmem:s3] =	stream.indirect.scatter.add.f32 [tilespmem:s9], [sflag:$0x5], $0x10, s24, s1, $0xb8;
	[tilespmem:$0x121B8] =	vst v63  }
0x7f: {  	_ =	swait.ge [sflag:s17], $0x2000  }
0x80: {  	[sflag:s17] =	ssyncset.done $0x0  }
0x81: {  	s24 =	sadd.s32 $0x100, s23;
	[sflag:s17] =	ssyncadd.s32 $0xFFFFE000  }
0x82: {  	[tilespmem:s4], [sflag:$0x1] =	stream.indirect.gather [hbm4b:s5+s1], $0x40, s24, s1, $0xb8;
	[tilespmem:$0x121B8] =	vst v63  }
0x83: {  	_ =	swait.ge [sflag:s18], $0x2000  }
.Ltmp0:
0x84: {  	[sflag:s18] =	ssyncset.done $0x0;
	(pc) =	sbr.rel @p0 .LBB2_3-.Ltmp0, $4  }
0x85: {  	[sflag:s18] =	ssyncadd.s32 $0xFFFFE000  }
0x86: {  	_ =	swait.ge [sflag:s15], $0x800  }
0x87: {  	[sflag:s15] =	ssyncset.done $0x0  }
0x88: {  	s23 =	sadd.s32 $0x180, s23;
	[sflag:s15] =	ssyncadd.s32 $0xFFFFF800  }
0x89: {  	[tilespmem:s6], [sflag:$0x2] =	stream.indirect.gather [hbm4b:s5+s1], $0x40, s23, s1, $0xb8;
	[tilespmem:$0x121B8] =	vst v63  }
0x8a: {  	_ =	swait.ge [sflag:s13], $0x2000  }
0x8b: {  	[sflag:s13] =	ssyncset.done $0x0  }
0x8c: {  	[sflag:s13] =	ssyncadd.s32 $0xFFFFE000  }
0x8d: {  	[spmem:s2] =	stream.indirect.scatter.add.bf16 [tilespmem:s4], [sflag:$0x3], $0x40, s19, s1, $0xb8;
	[tilespmem:$0x121B8] =	vst v63  }
0x8e: {  	_ = 	snop  }
0x8f: {  	[spmem:s3] =	stream.indirect.scatter.add.f32 [tilespmem:s9], [sflag:$0x5], $0x10, s19, s1, $0xb8;
	[tilespmem:$0x121B8] =	vst v63  }
0x90: {  	_ =	swait.ge [sflag:s14], $0x2000  }
0x91: {  	[sflag:s14] =	ssyncset.done $0x0  }
0x92: {  	[sflag:s14] =	ssyncadd.s32 $0xFFFFE000  }
0x93: {  	[spmem:s2] =	stream.indirect.scatter.add.bf16 [tilespmem:s6], [sflag:$0x4], $0x40, s20, s1, $0xb8;
	[tilespmem:$0x121B8] =	vst v63  }
0x94: {  	_ =	swait.ge [sflag:s15], $0x800  }
0x95: {  	[sflag:s15] =	ssyncset.done $0x0  }
0x96: {  	[sflag:s15] =	ssyncadd.s32 $0xFFFFF800  }
0x97: {  	[spmem:s3] =	stream.indirect.scatter.add.f32 [tilespmem:s9], [sflag:$0x5], $0x10, s20, s1, $0xb8;
	[tilespmem:$0x121B8] =	vst v63  }
0x98: {  	_ =	swait.ge [sflag:s17], $0x2000  }
0x99: {  	[sflag:s17] =	ssyncset.done $0x0  }
0x9a: {  	[sflag:s17] =	ssyncadd.s32 $0xFFFFE000  }
0x9b: {  	_ =	swait.ge [sflag:s18], $0x2000  }
0x9c: {  	[sflag:s18] =	ssyncset.done $0x0  }
0x9d: {  	[sflag:s18] =	ssyncadd.s32 $0xFFFFE000  }
0x9e: {  	s22 =	smul.u32 $0x138800, s21;
	_ =	swait.ge [sflag:s15], $0x800  }
0x9f: {  	s23 =	smul.u32 $0x27100, s21;
	[sflag:s15] =	ssyncset.done $0x0;
	s25 =	rddreg [dreg:$0xa]  }
0xa0: {  	s24 =	rddreg [dreg:$0xd];
	s22 =	sadd.s32 s25, s22;
	[sflag:s15] =	ssyncadd.s32 $0xFFFFF800  }
0xa1: {  	s25 =	sshll.u32 s10, $0x6;
	s24 =	sadd.s32 s24, s22;
	[bflag:$0x0] =	sbarrier.arrive $0xFFFF  }
0xa2: {  	s25 =	sor.u32 $0x1C06, s25;
	s24 =	sshrl.u32 s24, $0x4;
	s26 =	rddreg [dreg:$0xb]  }
0xa3: {  	s23 =	sadd.s32 s26, s23;
	s24 =	sadd.s32 s11, s24;
	s26 =	rddreg [dreg:$0x13]  }
0xa4: {  	[hbm:s24], [sflag:s25] =	dma.local [spmem:s26], $0x400  }
0xa5: {  	_ =	swait.ge [sflag:s8], $0x400  }
0xa6: {  	s26 =	rddreg [dreg:$0x14]  }
0xa7: {  	s24 =	sadd.s32 s26, s23  }
0xa8: {  	[sflag:s8] =	ssyncset.done $0x0;
	s24 =	sshrl.u32 s24, $0x3  }
0xa9: {  	[sflag:s8] =	ssyncadd.s32 $0xFFFFFC00;
	s26 =	sshrl.u32 s30, $0x3;
	s24 =	sadd.s32 s12, s24  }
0xaa: {  	[hbm:s24], [sflag:s25] =	dma.local [spmem:s26], $0x100  }
0xab: {  	_ =	swait.ge [sflag:s8], $0x100  }
0xac: {  	s26 =	rddreg [dreg:$0x11]  }
0xad: {  	s24 =	sadd.s32 s26, s22  }
0xae: {  	[sflag:s8] =	ssyncset.done $0x0;
	s24 =	sshrl.u32 s24, $0x4  }
0xaf: {  	[sflag:s8] =	ssyncadd.s32 $0xFFFFFF00;
	s26 =	rddreg [dreg:$0x15];
	s24 =	sadd.s32 s11, s24  }
0xb0: {  	[hbm:s24], [sflag:s25] =	dma.local [spmem:s26], $0x400  }
0xb1: {  	s26 =	sadd.s32 s28, s23;
	_ =	swait.ge [sflag:s8], $0x400  }
0xb2: {  	s24 =	sshrl.u32 s26, $0x3;
	[sflag:s8] =	ssyncset.done $0x0  }
0xb3: {  	s26 =	sshrl.u32 s31, $0x3;
	s24 =	sadd.s32 s12, s24;
	[sflag:s8] =	ssyncadd.s32 $0xFFFFFC00  }
0xb4: {  	[hbm:s24], [sflag:s25] =	dma.local [spmem:s26], $0x100  }
0xb5: {  	_ =	swait.ge [sflag:s8], $0x100  }
0xb6: {  	s26 =	rddreg [dreg:$0x12]  }
0xb7: {  	s22 =	sadd.s32 s26, s22  }
0xb8: {  	[sflag:s8] =	ssyncset.done $0x0;
	s22 =	sshrl.u32 s22, $0x4  }
0xb9: {  	[sflag:s8] =	ssyncadd.s32 $0xFFFFFF00;
	s26 =	rddreg [dreg:$0x16];
	s22 =	sadd.s32 s11, s22  }
0xba: {  	[hbm:s22], [sflag:s25] =	dma.local [spmem:s26], $0x400  }
0xbb: {  	s21 =	sadd.s32 $0x1, s21;
	s24 =	sadd.s32 s29, s23;
	_ =	swait.ge [sflag:s8], $0x400  }
0xbc: {  	p0 =	sne.s32 s21, $0x3;
	s22 =	sshrl.u32 s24, $0x3;
	[sflag:s8] =	ssyncset.done $0x0  }
0xbd: {  	s26 =	sshrl.u32 s0, $0x3;
	s22 =	sadd.s32 s12, s22;
	[sflag:s8] =	ssyncadd.s32 $0xFFFFFC00  }
0xbe: {  	[hbm:s22], [sflag:s25] =	dma.local [spmem:s26], $0x100  }
.Ltmp1:
0xbf: {  	_ =	swait.ge [sflag:s8], $0x100;
	(pc) =	sbr.rel @p0 .LBB2_2-.Ltmp1, $3  }
0xc0: {  	[sflag:s8] =	ssyncset.done $0x0  }
0xc1: {  	[sflag:s8] =	ssyncadd.s32 $0xFFFFFF00  }
0xc2: {  	[bflag:$0x0] =	sbarrier.arrive $0xFFFF;
	_ =	sdelay $0x1  }
0xc3: {  	s22 =	rddreg [dreg:$0x17]  }
0xc4: {  	s21 =	rddreg [dreg:$0xc];
	s22 =	sadd.s32 $0x1, s22  }
0xc5: {  	p0 =	sne.s32 s22, s21  }
.Ltmp2:
0xc6: {  	_ = 	snop;
	(pc) =	sbr.rel @p0 .LBB2_1-.Ltmp2, $1  }
0xc7: {  	_ =	sdelay $0x3  }
0xc8: {  	_ =	sfence.sel $0x180000  }
0xc9: {  	[bflag:$0x0] =	sbarrier.arrive $0xFFFF  }
0xca: {  	_ =	strace $0x9000004A  }
0xcb: {  	[bflag:$0x2] =	sbarrier.arrive $0xFFFF  }
0xcc: {  	p0 =	sne.s32 s10, $0x0;
	s0 =	rddreg [dreg:$0x4]  }
0xcd: {  	s0 =	sadd.s32 @!p0 $0x100000, s0  }
0xce: {  	[sflag:s0] =	ssyncadd.tile.s32 @!p0 $0x1;
	_ =	shalt  }
.Lfunc_end2:
_tile_overlayer_lowered:
.L_overlay_start_2:
0xcf: {  	(tag) =	ssettag $0x2  }
0xd0: {  	s0 =	rddreg [dreg:$0x0];
	s2 =	stileid.u32  }
0xd1: {  	s1 =	rddreg [dreg:$0x1];
	p0 =	sne.s32 s2, $0x0  }
0xd2: {  	s3 =	rddreg [dreg:$0x2];
	[bflag:$0x3] =	sbarrier.arrive $0xFFFF;
	s2 =	simm.s32 @!p0 $0x1C06  }
0xd3: {  	[timem:s3], [sflag:s2] =	dma.local @!p0 [hbm:s0], s1  }
0xd4: {  	s0 =	simm.s32 @!p0 $0x6  }
0xd5: {  	_ =	swait.ge @!p0 [sflag:s0], s1  }
0xd6: {  	s1 =	ssub.s32 @!p0 $0x0, s1;
	[sflag:s0] =	ssyncset.done @!p0 $0x0  }
0xd7: {  	[sflag:s0] =	ssyncadd.s32 @!p0 s1  }
0xd8: {  	[bflag:$0x3] =	sbarrier.arrive $0xFFFF  }
0xd9: {  	_ =	shalt  }

</sc_bundles>
